<compile_context>
chip_gen: v7x
topology: tpu7x:2x2x1
jax: 0.10.2.dev20260603
libtpu: 0.0.44.dev20260713+nightly
codegen_flags: <defaults>
</compile_context>

<pallas_src>
import jax
import jax.numpy as jnp
from jax import lax
from jax.experimental import pallas as pl
from jax.experimental.pallas import tpu as pltpu
from jax.experimental.pallas import tpu_sc as plsc

NU = 25000
NI = 25000
D = 64
E = 800000

HALF = 25088
DUMMY = 25080
PADN = 2 * HALF
C = 128
SLAB = 4
NSLAB = 98
EPAD = 16 * NSLAB * SLAB * C
EROWS = EPAD // C
RPT = EROWS // 16
HROWS = HALF // 16
NBUF = 3


def _prep_body(dstm, srcm, dstc, srcp, dbuf, sbuf, o0, o1, o2):
    c = lax.axis_index("c")
    s = lax.axis_index("s")
    wid = s * 2 + c
    rows = EROWS // 32
    pr = 28

    def do_pass(p, carry):
        r0 = wid * rows + p * pr
        pltpu.sync_copy(dstm.at[pl.ds(r0, pr)], dbuf)
        pltpu.sync_copy(srcm.at[pl.ds(r0, pr)], sbuf)

        def row(r, carry2):
            for l in range(8):
                sl = pl.ds(l * 16, 16)
                sv = sbuf[r, sl]
                o2[r, sl] = jnp.where(sv >= NU, sv + (HALF - NU), sv)
                dv = dbuf[r, sl]
                o0[r, sl] = jnp.where((dv >= 0) & (dv < NU), dv, DUMMY)
                dv1 = dv - NU
                o1[r, sl] = jnp.where((dv1 >= 0) & (dv1 < NU), dv1, DUMMY)
            return carry2

        lax.fori_loop(0, pr, row, 0)
        pltpu.sync_copy(o0, dstc.at[0, pl.ds(r0, pr)])
        pltpu.sync_copy(o1, dstc.at[1, pl.ds(r0, pr)])
        pltpu.sync_copy(o2, srcp.at[pl.ds(r0, pr)])
        return carry

    lax.fori_loop(0, rows // pr, do_pass, 0)


@jax.jit
def _prep(dstm, srcm):
    mesh = plsc.VectorSubcoreMesh(core_axis_name="c", subcore_axis_name="s")
    return pl.kernel(
        _prep_body,
        out_type=(
            jax.ShapeDtypeStruct((2, EROWS, C), jnp.int32),
            jax.ShapeDtypeStruct((EROWS, C), jnp.int32),
        ),
        mesh=mesh,
        scratch_types=[
            pltpu.VMEM((28, C), jnp.int32),
            pltpu.VMEM((28, C), jnp.int32),
            pltpu.VMEM((28, C), jnp.int32),
            pltpu.VMEM((28, C), jnp.int32),
            pltpu.VMEM((28, C), jnp.int32),
        ],
        compiler_params=pltpu.CompilerParams(use_tc_tiling_on_sc=False),
    )(dstm, srcm)


def _propagate_body(emb, dstc, srcp, wm, zeros, out,
                    dsl, ssl, wsl, rbuf, acc, isem, gsem, ssem):
    c = lax.axis_index("c")
    s = lax.axis_index("s")

    pltpu.sync_copy(zeros.at[pl.ds(s * HROWS, HROWS)],
                    acc.at[pl.ds(s * HROWS, HROWS)])
    plsc.subcore_barrier()

    row0 = s * RPT

    def drain_g():
        pltpu.make_async_copy(emb.at[pl.ds(0, C)], rbuf.at[0], gsem).wait()

    def drain_s():
        pltpu.make_async_copy(emb.at[pl.ds(0, C)], rbuf.at[0], ssem).wait()

    def drain_i():
        pltpu.make_async_copy(dstc.at[0, pl.ds(0, SLAB)], dsl.at[0], isem).wait()
        pltpu.make_async_copy(srcp.at[pl.ds(0, SLAB)], ssl.at[0], isem).wait()
        pltpu.make_async_copy(wm.at[pl.ds(0, SLAB)], wsl.at[0], isem).wait()

    def stage(j, buf):
        r = row0 + j * SLAB
        pltpu.async_copy(dstc.at[c, pl.ds(r, SLAB)], dsl.at[buf], isem)
        pltpu.async_copy(srcp.at[pl.ds(r, SLAB)], ssl.at[buf], isem)
        pltpu.async_copy(wm.at[pl.ds(r, SLAB)], wsl.at[buf], isem)

    stage(0, 0)
    drain_i()
    pltpu.async_copy(emb.at[ssl.at[0, 0]], rbuf.at[0], gsem)
    pltpu.async_copy(emb.at[ssl.at[0, 1]], rbuf.at[1], gsem)

    def slab(j, carry):
        m = lax.rem(j, 2)
        nm = 1 - m
        for k in range(SLAB):
            b = lax.rem(j + k, NBUF)
            b2 = lax.rem(j + k + 2, NBUF)
            drain_g()

            def scale(g, carry2):
                w16 = wsl[m, k, pl.ds(g * 16, 16)]
                for e in range(16):
                    w = w16[e]
                    idx = g * 16 + e
                    for q in range(4):
                        sl = pl.ds(q * 16, 16)
                        rbuf[b, idx, sl] = rbuf[b, idx, sl] * w
                return carry2

            lax.fori_loop(0, C // 16, scale, 0)

            pltpu.async_copy(rbuf.at[b], acc.at[dsl.at[m, k]], ssem, add=True)

            if k == 0:
                @pl.when(j > 0)
                def _():
                    drain_s()

                @pl.when(j < NSLAB - 1)
                def _():
                    stage(j + 1, nm)
            else:
                drain_s()

            if k < 2:
                pltpu.async_copy(emb.at[ssl.at[m, k + 2]], rbuf.at[b2], gsem)
            else:
                if k == 2:
                    @pl.when(j < NSLAB - 1)
                    def _():
                        drain_i()

                @pl.when(j < NSLAB - 1)
                def _():
                    pltpu.async_copy(emb.at[ssl.at[nm, k - 2]],
                                     rbuf.at[b2], gsem)
        return carry

    lax.fori_loop(0, NSLAB, slab, 0)
    drain_s()

    plsc.subcore_barrier()
    pltpu.sync_copy(acc.at[pl.ds(s * HROWS, HROWS)],
                    out.at[pl.ds(c * HALF + s * HROWS, HROWS)])


@jax.jit
def _propagate(emb, dstc, srcp, wm, zeros):
    mesh = plsc.VectorSubcoreMesh(core_axis_name="c", subcore_axis_name="s")
    return pl.kernel(
        _propagate_body,
        out_type=jax.ShapeDtypeStruct((PADN, D), jnp.float32),
        mesh=mesh,
        scratch_types=[
            pltpu.VMEM((2, SLAB, C), jnp.int32),
            pltpu.VMEM((2, SLAB, C), jnp.int32),
            pltpu.VMEM((2, SLAB, C), jnp.float32),
            pltpu.VMEM((NBUF, C, D), jnp.float32),
            pltpu.VMEM_SHARED((HALF, D), jnp.float32),
            pltpu.SemaphoreType.DMA,
            pltpu.SemaphoreType.DMA,
            pltpu.SemaphoreType.DMA,
        ],
        compiler_params=pltpu.CompilerParams(use_tc_tiling_on_sc=False),
    )(emb, dstc, srcp, wm, zeros)


def _mean_body(a, b, c, d, o):
    o[...] = (a[...] + b[...] + c[...] + d[...]) * 0.25


@jax.jit
def _mean4(a, b, c, d):
    blk = 1024
    spec = pl.BlockSpec((blk, D), lambda i: (i, 0))
    return pl.pallas_call(
        _mean_body,
        grid=(PADN // blk,),
        in_specs=[spec] * 4,
        out_specs=spec,
        out_shape=jax.ShapeDtypeStruct((PADN, D), jnp.float32),
    )(a, b, c, d)


def kernel(user_emb, item_emb, edge_index, edge_weight):
    pad = jnp.zeros((HALF - NU, D), jnp.float32)
    e0 = jnp.concatenate([user_emb, pad, item_emb, pad], axis=0)

    dst = edge_index[0].astype(jnp.int32)
    src = edge_index[1].astype(jnp.int32)
    epad = EPAD - E
    dstm = jnp.pad(dst, (0, epad)).reshape(EROWS, C)
    srcm = jnp.pad(src, (0, epad)).reshape(EROWS, C)
    wm = jnp.pad(edge_weight, (0, epad)).reshape(EROWS, C)
    zeros = jnp.zeros((HALF, D), jnp.float32)

    dstc, srcp = _prep(dstm, srcm)
    e1 = _propagate(e0, dstc, srcp, wm, zeros)
    e2 = _propagate(e1, dstc, srcp, wm, zeros)
    e3 = _propagate(e2, dstc, srcp, wm, zeros)
    m = _mean4(e0, e1, e2, e3)
    return (m[:NU], m[HALF:HALF + NI])

# --- scband reference (transcript-rebuilt; emitter-appended) ---
"""Pipeline reference for scband-light-gcn-83897891160077 (READ-ONLY COPY).

The authoritative reference and input builder live on the scoring server;
editing this copy changes nothing except your own understanding.
"""

import jax, jax.numpy as jnp
import numpy as np

NUM_USERS = 25000
NUM_ITEMS = 25000
LATENT_DIM = 64
N_LAYERS = 3
N_EDGES = 800000


def setup_inputs(seed: int = 0):
    key = jax.random.key(seed)
    k1, k2, k3, k4 = jax.random.split(key, 4)
    n_nodes = NUM_USERS + NUM_ITEMS
    # xavier-style init for embedding tables (learned params)
    scale = float(np.sqrt(6.0 / (NUM_USERS + LATENT_DIM)))
    user_emb = jax.random.uniform(k1, (NUM_USERS, LATENT_DIM), dtype=jnp.float32, minval=-scale, maxval=scale)
    scale_i = float(np.sqrt(6.0 / (NUM_ITEMS + LATENT_DIM)))
    item_emb = jax.random.uniform(k2, (NUM_ITEMS, LATENT_DIM), dtype=jnp.float32, minval=-scale_i, maxval=scale_i)
    # normalized bipartite adjacency in COO form: row=dst, col=src, value=norm weight
    edge_index = jax.random.randint(k3, (2, N_EDGES), 0, n_nodes).astype(jnp.int64)
    edge_weight = jax.random.uniform(k4, (N_EDGES,), dtype=jnp.float32)
    return {"user_emb": user_emb, "item_emb": item_emb, "edge_index": edge_index, "edge_weight": edge_weight}


def reference(user_emb, item_emb, edge_index, edge_weight):
    # LightGCN.computer(): layer-wise sparse propagation + mean over layers
    n_nodes = user_emb.shape[0] + item_emb.shape[0]
    all_emb = jnp.concatenate([user_emb, item_emb], axis=0)
    embs = [all_emb]
    dst = edge_index[0]
    src = edge_index[1]
    for _ in range(N_LAYERS):
        # torch.sparse.mm(A, all_emb): out[dst] += w * all_emb[src]
        msgs = all_emb[src] * edge_weight[:, None]
        all_emb = jax.ops.segment_sum(msgs, dst, num_segments=n_nodes)
        embs.append(all_emb)
    stacked = jnp.stack(embs, axis=1)
    light_out = jnp.mean(stacked, axis=1)
    users = light_out[:NUM_USERS]
    items = light_out[NUM_USERS:]
    return (users, items)

if __name__ == "__main__":
    import jax
    _d = setup_inputs()
    print(jax.jit(kernel)(*tuple(_d.values())))

</pallas_src>

<mosaic_0001>
#map = affine_map<(d0, d1) -> (0, 0)>
#map1 = affine_map<(d0, d1) -> (0, 0, 0)>
module attributes {stable_mosaic.version = 14 : i64} {
  func.func @_prep_body(%arg0: i32, %arg1: i32, %arg2: memref<6272x128xi32, #tpu.memory_space<hbm>>, %arg3: memref<6272x128xi32, #tpu.memory_space<hbm>>, %arg4: memref<2x6272x128xi32, #tpu.memory_space<hbm>>, %arg5: memref<6272x128xi32, #tpu.memory_space<hbm>>, %arg6: memref<28x128xi32, #tpu.memory_space<vmem>>, %arg7: memref<28x128xi32, #tpu.memory_space<vmem>>, %arg8: memref<28x128xi32, #tpu.memory_space<vmem>>, %arg9: memref<28x128xi32, #tpu.memory_space<vmem>>, %arg10: memref<28x128xi32, #tpu.memory_space<vmem>>) attributes {dimension_semantics = [#tpu.dimension_semantics<core_parallel>, #tpu.dimension_semantics<subcore_parallel>], iteration_bounds = array<i64: 2, 16>, scalar_prefetch = 0 : i64, scratch_operands = 5 : i64, tpu.core_type = #tpu.core_type<sc_vector_subcore>, window_params = [{transform_indices = #map}, {transform_indices = #map}, {transform_indices = #map1}, {transform_indices = #map}]} {
    %mul3A = arith.constant 2 : i32
    %mul3A_0 = arith.muli %arg1, %mul3A : i32
    %add3A = arith.addi %mul3A_0, %arg0 : i32
    %scan3A = arith.constant 0 : i32
    %scan3A_1 = arith.constant 0 : i32
    %scan3A_2 = arith.constant 7 : i32
    %scan3A_3 = arith.addi %scan3A_1, %scan3A_2 : i32
    %scan3A_4 = arith.constant 1 : i32
    scf.for %scan3A_6 = %scan3A_1 to %scan3A_3 step %scan3A_4  : i32 {
      %mul3A_7 = arith.constant 196 : i32
      %mul3A_8 = arith.muli %add3A, %mul3A_7 : i32
      %mul3A_9 = arith.constant 28 : i32
      %mul3A_10 = arith.muli %scan3A_6, %mul3A_9 : i32
      %add3A_11 = arith.addi %mul3A_8, %mul3A_10 : i32
      "tpu.region"() ({
        %run_scoped3A_19 = tpu.sem_alloc : memref<!tpu.dma_semaphore, #tpu.memory_space<semaphore_mem>>
        %dma_start3A = arith.constant 0 : i32
        %dma_start3A_20 = tpu.memref_slice %arg2[%add3A_11, %dma_start3A] : memref<6272x128xi32, #tpu.memory_space<hbm>> -> memref<28x128xi32, #tpu.memory_space<hbm>>
        %dma_start3A_21 = arith.constant 0 : i32
        %dma_start3A_22 = tpu.memref_slice %arg2[%add3A_11, %dma_start3A_21] : memref<6272x128xi32, #tpu.memory_space<hbm>> -> memref<28x128xi32, #tpu.memory_space<hbm>>
        tpu.enqueue_dma source(%dma_start3A_22 : memref<28x128xi32, #tpu.memory_space<hbm>>) target(%arg6 : memref<28x128xi32, #tpu.memory_space<vmem>>) target_semaphore(%run_scoped3A_19 : memref<!tpu.dma_semaphore, #tpu.memory_space<semaphore_mem>>)
        %dma_wait3A = arith.constant 0 : i32
        %dma_wait3A_23 = tpu.memref_slice %arg2[%add3A_11, %dma_wait3A] : memref<6272x128xi32, #tpu.memory_space<hbm>> -> memref<28x128xi32, #tpu.memory_space<hbm>>
        %dma_wait3A_24 = arith.constant 0 : i32
        %dma_wait3A_25 = tpu.memref_slice %arg2[%add3A_11, %dma_wait3A_24] : memref<6272x128xi32, #tpu.memory_space<hbm>> -> memref<28x128xi32, #tpu.memory_space<hbm>>
        tpu.wait_dma2 semaphore(%run_scoped3A_19 : memref<!tpu.dma_semaphore, #tpu.memory_space<semaphore_mem>>) src(%dma_wait3A_25 : memref<28x128xi32, #tpu.memory_space<hbm>>) dst(%arg6 : memref<28x128xi32, #tpu.memory_space<vmem>>)
        tpu.yield
      }) : () -> ()
      "tpu.region"() ({
        %run_scoped3A_19 = tpu.sem_alloc : memref<!tpu.dma_semaphore, #tpu.memory_space<semaphore_mem>>
        %dma_start3A = arith.constant 0 : i32
        %dma_start3A_20 = tpu.memref_slice %arg3[%add3A_11, %dma_start3A] : memref<6272x128xi32, #tpu.memory_space<hbm>> -> memref<28x128xi32, #tpu.memory_space<hbm>>
        %dma_start3A_21 = arith.constant 0 : i32
        %dma_start3A_22 = tpu.memref_slice %arg3[%add3A_11, %dma_start3A_21] : memref<6272x128xi32, #tpu.memory_space<hbm>> -> memref<28x128xi32, #tpu.memory_space<hbm>>
        tpu.enqueue_dma source(%dma_start3A_22 : memref<28x128xi32, #tpu.memory_space<hbm>>) target(%arg7 : memref<28x128xi32, #tpu.memory_space<vmem>>) target_semaphore(%run_scoped3A_19 : memref<!tpu.dma_semaphore, #tpu.memory_space<semaphore_mem>>)
        %dma_wait3A = arith.constant 0 : i32
        %dma_wait3A_23 = tpu.memref_slice %arg3[%add3A_11, %dma_wait3A] : memref<6272x128xi32, #tpu.memory_space<hbm>> -> memref<28x128xi32, #tpu.memory_space<hbm>>
        %dma_wait3A_24 = arith.constant 0 : i32
        %dma_wait3A_25 = tpu.memref_slice %arg3[%add3A_11, %dma_wait3A_24] : memref<6272x128xi32, #tpu.memory_space<hbm>> -> memref<28x128xi32, #tpu.memory_space<hbm>>
        tpu.wait_dma2 semaphore(%run_scoped3A_19 : memref<!tpu.dma_semaphore, #tpu.memory_space<semaphore_mem>>) src(%dma_wait3A_25 : memref<28x128xi32, #tpu.memory_space<hbm>>) dst(%arg7 : memref<28x128xi32, #tpu.memory_space<vmem>>)
        tpu.yield
      }) : () -> ()
      %scan3A_12 = arith.constant 0 : i32
      %scan3A_13 = arith.constant 0 : i32
      %scan3A_14 = arith.constant 28 : i32
      %scan3A_15 = arith.addi %scan3A_13, %scan3A_14 : i32
      %scan3A_16 = arith.constant 1 : i32
      scf.for %scan3A_19 = %scan3A_13 to %scan3A_15 step %scan3A_16  : i32 {
        %get3A = arith.index_cast %scan3A_19 : i32 to index
        %get3A_20 = arith.constant 0 : index
        %get3A_21 = tpu.vector_load %arg7[%get3A, %get3A_20] {strides = array<i32>} : memref<28x128xi32, #tpu.memory_space<vmem>>, vector<1x16xi32>,
        %get3A_22 = vector.shape_cast %get3A_21 : vector<1x16xi32> to vector<16xi32>
        %ge3A = arith.constant 25000 : i32
        %ge3A_23 = vector.broadcast %ge3A : i32 to vector<16xi32>
        %ge3A_24 = arith.cmpi sge, %get3A_22, %ge3A_23 : vector<16xi32>
        %add3A_25 = arith.constant 88 : i32
        %add3A_26 = vector.broadcast %add3A_25 : i32 to vector<16xi32>
        %add3A_27 = arith.addi %get3A_22, %add3A_26 : vector<16xi32>
        %select_n3A = arith.select %ge3A_24, %add3A_27, %get3A_22 : vector<16xi1>, vector<16xi32>
        %swap3A = arith.index_cast %scan3A_19 : i32 to index
        %swap3A_28 = arith.constant 0 : index
        %swap3A_29 = tpu.vector_load %arg10[%swap3A, %swap3A_28] {strides = array<i32>} : memref<28x128xi32, #tpu.memory_space<vmem>>, vector<1x16xi32>,
        %swap3A_30 = vector.shape_cast %swap3A_29 : vector<1x16xi32> to vector<16xi32>
        %swap3A_31 = vector.shape_cast %select_n3A : vector<16xi32> to vector<1x16xi32>
        tpu.vector_store %arg10[%swap3A, %swap3A_28], %swap3A_31 {strides = array<i32>} : memref<28x128xi32, #tpu.memory_space<vmem>>, vector<1x16xi32>,
        %get3A_32 = arith.index_cast %scan3A_19 : i32 to index
        %get3A_33 = arith.constant 0 : index
        %get3A_34 = tpu.vector_load %arg6[%get3A_32, %get3A_33] {strides = array<i32>} : memref<28x128xi32, #tpu.memory_space<vmem>>, vector<1x16xi32>,
        %get3A_35 = vector.shape_cast %get3A_34 : vector<1x16xi32> to vector<16xi32>
        %ge3A_36 = arith.constant 0 : i32
        %ge3A_37 = vector.broadcast %ge3A_36 : i32 to vector<16xi32>
        %ge3A_38 = arith.cmpi sge, %get3A_35, %ge3A_37 : vector<16xi32>
        %lt3A = arith.constant 25000 : i32
        %lt3A_39 = vector.broadcast %lt3A : i32 to vector<16xi32>
        %lt3A_40 = arith.cmpi slt, %get3A_35, %lt3A_39 : vector<16xi32>
        %and3A = arith.andi %ge3A_38, %lt3A_40 : vector<16xi1>
        %jit3A = arith.constant 25080 : i32
        %broadcast_in_dim3A = vector.broadcast %jit3A : i32 to vector<16xi32>
        %select_n3A_41 = arith.select %and3A, %get3A_35, %broadcast_in_dim3A : vector<16xi1>, vector<16xi32>
        %swap3A_42 = arith.index_cast %scan3A_19 : i32 to index
        %swap3A_43 = arith.constant 0 : index
        %swap3A_44 = tpu.vector_load %arg8[%swap3A_42, %swap3A_43] {strides = array<i32>} : memref<28x128xi32, #tpu.memory_space<vmem>>, vector<1x16xi32>,
        %swap3A_45 = vector.shape_cast %swap3A_44 : vector<1x16xi32> to vector<16xi32>
        %swap3A_46 = vector.shape_cast %select_n3A_41 : vector<16xi32> to vector<1x16xi32>
        tpu.vector_store %arg8[%swap3A_42, %swap3A_43], %swap3A_46 {strides = array<i32>} : memref<28x128xi32, #tpu.memory_space<vmem>>, vector<1x16xi32>,
        %sub3A = arith.constant 25000 : i32
        %sub3A_47 = vector.broadcast %sub3A : i32 to vector<16xi32>
        %sub3A_48 = arith.subi %get3A_35, %sub3A_47 : vector<16xi32>
        %ge3A_49 = arith.constant 0 : i32
        %ge3A_50 = vector.broadcast %ge3A_49 : i32 to vector<16xi32>
        %ge3A_51 = arith.cmpi sge, %sub3A_48, %ge3A_50 : vector<16xi32>
        %lt3A_52 = arith.constant 25000 : i32
        %lt3A_53 = vector.broadcast %lt3A_52 : i32 to vector<16xi32>
        %lt3A_54 = arith.cmpi slt, %sub3A_48, %lt3A_53 : vector<16xi32>
        %and3A_55 = arith.andi %ge3A_51, %lt3A_54 : vector<16xi1>
        %jit3A_56 = arith.constant 25080 : i32
        %broadcast_in_dim3A_57 = vector.broadcast %jit3A_56 : i32 to vector<16xi32>
        %select_n3A_58 = arith.select %and3A_55, %sub3A_48, %broadcast_in_dim3A_57 : vector<16xi1>, vector<16xi32>
        %swap3A_59 = arith.index_cast %scan3A_19 : i32 to index
        %swap3A_60 = arith.constant 0 : index
        %swap3A_61 = tpu.vector_load %arg9[%swap3A_59, %swap3A_60] {strides = array<i32>} : memref<28x128xi32, #tpu.memory_space<vmem>>, vector<1x16xi32>,
        %swap3A_62 = vector.shape_cast %swap3A_61 : vector<1x16xi32> to vector<16xi32>
        %swap3A_63 = vector.shape_cast %select_n3A_58 : vector<16xi32> to vector<1x16xi32>
        tpu.vector_store %arg9[%swap3A_59, %swap3A_60], %swap3A_63 {strides = array<i32>} : memref<28x128xi32, #tpu.memory_space<vmem>>, vector<1x16xi32>,
        %get3A_64 = arith.index_cast %scan3A_19 : i32 to index
        %get3A_65 = arith.constant 16 : index
        %get3A_66 = tpu.vector_load %arg7[%get3A_64, %get3A_65] {strides = array<i32>} : memref<28x128xi32, #tpu.memory_space<vmem>>, vector<1x16xi32>,
        %get3A_67 = vector.shape_cast %get3A_66 : vector<1x16xi32> to vector<16xi32>
        %ge3A_68 = arith.constant 25000 : i32
        %ge3A_69 = vector.broadcast %ge3A_68 : i32 to vector<16xi32>
        %ge3A_70 = arith.cmpi sge, %get3A_67, %ge3A_69 : vector<16xi32>
        %add3A_71 = arith.constant 88 : i32
        %add3A_72 = vector.broadcast %add3A_71 : i32 to vector<16xi32>
        %add3A_73 = arith.addi %get3A_67, %add3A_72 : vector<16xi32>
        %select_n3A_74 = arith.select %ge3A_70, %add3A_73, %get3A_67 : vector<16xi1>, vector<16xi32>
        %swap3A_75 = arith.index_cast %scan3A_19 : i32 to index
        %swap3A_76 = arith.constant 16 : index
        %swap3A_77 = tpu.vector_load %arg10[%swap3A_75, %swap3A_76] {strides = array<i32>} : memref<28x128xi32, #tpu.memory_space<vmem>>, vector<1x16xi32>,
        %swap3A_78 = vector.shape_cast %swap3A_77 : vector<1x16xi32> to vector<16xi32>
        %swap3A_79 = vector.shape_cast %select_n3A_74 : vector<16xi32> to vector<1x16xi32>
        tpu.vector_store %arg10[%swap3A_75, %swap3A_76], %swap3A_79 {strides = array<i32>} : memref<28x128xi32, #tpu.memory_space<vmem>>, vector<1x16xi32>,
        %get3A_80 = arith.index_cast %scan3A_19 : i32 to index
        %get3A_81 = arith.constant 16 : index
        %get3A_82 = tpu.vector_load %arg6[%get3A_80, %get3A_81] {strides = array<i32>} : memref<28x128xi32, #tpu.memory_space<vmem>>, vector<1x16xi32>,
        %get3A_83 = vector.shape_cast %get3A_82 : vector<1x16xi32> to vector<16xi32>
        %ge3A_84 = arith.constant 0 : i32
        %ge3A_85 = vector.broadcast %ge3A_84 : i32 to vector<16xi32>
        %ge3A_86 = arith.cmpi sge, %get3A_83, %ge3A_85 : vector<16xi32>
        %lt3A_87 = arith.constant 25000 : i32
        %lt3A_88 = vector.broadcast %lt3A_87 : i32 to vector<16xi32>
        %lt3A_89 = arith.cmpi slt, %get3A_83, %lt3A_88 : vector<16xi32>
        %and3A_90 = arith.andi %ge3A_86, %lt3A_89 : vector<16xi1>
        %jit3A_91 = arith.constant 25080 : i32
        %broadcast_in_dim3A_92 = vector.broadcast %jit3A_91 : i32 to vector<16xi32>
        %select_n3A_93 = arith.select %and3A_90, %get3A_83, %broadcast_in_dim3A_92 : vector<16xi1>, vector<16xi32>
        %swap3A_94 = arith.index_cast %scan3A_19 : i32 to index
        %swap3A_95 = arith.constant 16 : index
        %swap3A_96 = tpu.vector_load %arg8[%swap3A_94, %swap3A_95] {strides = array<i32>} : memref<28x128xi32, #tpu.memory_space<vmem>>, vector<1x16xi32>,
        %swap3A_97 = vector.shape_cast %swap3A_96 : vector<1x16xi32> to vector<16xi32>
        %swap3A_98 = vector.shape_cast %select_n3A_93 : vector<16xi32> to vector<1x16xi32>
        tpu.vector_store %arg8[%swap3A_94, %swap3A_95], %swap3A_98 {strides = array<i32>} : memref<28x128xi32, #tpu.memory_space<vmem>>, vector<1x16xi32>,
        %sub3A_99 = arith.constant 25000 : i32
        %sub3A_100 = vector.broadcast %sub3A_99 : i32 to vector<16xi32>
        %sub3A_101 = arith.subi %get3A_83, %sub3A_100 : vector<16xi32>
        %ge3A_102 = arith.constant 0 : i32
        %ge3A_103 = vector.broadcast %ge3A_102 : i32 to vector<16xi32>
        %ge3A_104 = arith.cmpi sge, %sub3A_101, %ge3A_103 : vector<16xi32>
        %lt3A_105 = arith.constant 25000 : i32
        %lt3A_106 = vector.broadcast %lt3A_105 : i32 to vector<16xi32>
        %lt3A_107 = arith.cmpi slt, %sub3A_101, %lt3A_106 : vector<16xi32>
        %and3A_108 = arith.andi %ge3A_104, %lt3A_107 : vector<16xi1>
        %jit3A_109 = arith.constant 25080 : i32
        %broadcast_in_dim3A_110 = vector.broadcast %jit3A_109 : i32 to vector<16xi32>
        %select_n3A_111 = arith.select %and3A_108, %sub3A_101, %broadcast_in_dim3A_110 : vector<16xi1>, vector<16xi32>
        %swap3A_112 = arith.index_cast %scan3A_19 : i32 to index
        %swap3A_113 = arith.constant 16 : index
        %swap3A_114 = tpu.vector_load %arg9[%swap3A_112, %swap3A_113] {strides = array<i32>} : memref<28x128xi32, #tpu.memory_space<vmem>>, vector<1x16xi32>,
        %swap3A_115 = vector.shape_cast %swap3A_114 : vector<1x16xi32> to vector<16xi32>
        %swap3A_116 = vector.shape_cast %select_n3A_111 : vector<16xi32> to vector<1x16xi32>
        tpu.vector_store %arg9[%swap3A_112, %swap3A_113], %swap3A_116 {strides = array<i32>} : memref<28x128xi32, #tpu.memory_space<vmem>>, vector<1x16xi32>,
        %get3A_117 = arith.index_cast %scan3A_19 : i32 to index
        %get3A_118 = arith.constant 32 : index
        %get3A_119 = tpu.vector_load %arg7[%get3A_117, %get3A_118] {strides = array<i32>} : memref<28x128xi32, #tpu.memory_space<vmem>>, vector<1x16xi32>,
        %get3A_120 = vector.shape_cast %get3A_119 : vector<1x16xi32> to vector<16xi32>
        %ge3A_121 = arith.constant 25000 : i32
        %ge3A_122 = vector.broadcast %ge3A_121 : i32 to vector<16xi32>
        %ge3A_123 = arith.cmpi sge, %get3A_120, %ge3A_122 : vector<16xi32>
        %add3A_124 = arith.constant 88 : i32
        %add3A_125 = vector.broadcast %add3A_124 : i32 to vector<16xi32>
        %add3A_126 = arith.addi %get3A_120, %add3A_125 : vector<16xi32>
        %select_n3A_127 = arith.select %ge3A_123, %add3A_126, %get3A_120 : vector<16xi1>, vector<16xi32>
        %swap3A_128 = arith.index_cast %scan3A_19 : i32 to index
        %swap3A_129 = arith.constant 32 : index
        %swap3A_130 = tpu.vector_load %arg10[%swap3A_128, %swap3A_129] {strides = array<i32>} : memref<28x128xi32, #tpu.memory_space<vmem>>, vector<1x16xi32>,
        %swap3A_131 = vector.shape_cast %swap3A_130 : vector<1x16xi32> to vector<16xi32>
        %swap3A_132 = vector.shape_cast %select_n3A_127 : vector<16xi32> to vector<1x16xi32>
        tpu.vector_store %arg10[%swap3A_128, %swap3A_129], %swap3A_132 {strides = array<i32>} : memref<28x128xi32, #tpu.memory_space<vmem>>, vector<1x16xi32>,
        %get3A_133 = arith.index_cast %scan3A_19 : i32 to index
        %get3A_134 = arith.constant 32 : index
        %get3A_135 = tpu.vector_load %arg6[%get3A_133, %get3A_134] {strides = array<i32>} : memref<28x128xi32, #tpu.memory_space<vmem>>, vector<1x16xi32>,
        %get3A_136 = vector.shape_cast %get3A_135 : vector<1x16xi32> to vector<16xi32>
        %ge3A_137 = arith.constant 0 : i32
        %ge3A_138 = vector.broadcast %ge3A_137 : i32 to vector<16xi32>
        %ge3A_139 = arith.cmpi sge, %get3A_136, %ge3A_138 : vector<16xi32>
        %lt3A_140 = arith.constant 25000 : i32
        %lt3A_141 = vector.broadcast %lt3A_140 : i32 to vector<16xi32>
        %lt3A_142 = arith.cmpi slt, %get3A_136, %lt3A_141 : vector<16xi32>
        %and3A_143 = arith.andi %ge3A_139, %lt3A_142 : vector<16xi1>
        %jit3A_144 = arith.constant 25080 : i32
        %broadcast_in_dim3A_145 = vector.broadcast %jit3A_144 : i32 to vector<16xi32>
        %select_n3A_146 = arith.select %and3A_143, %get3A_136, %broadcast_in_dim3A_145 : vector<16xi1>, vector<16xi32>
        %swap3A_147 = arith.index_cast %scan3A_19 : i32 to index
        %swap3A_148 = arith.constant 32 : index
        %swap3A_149 = tpu.vector_load %arg8[%swap3A_147, %swap3A_148] {strides = array<i32>} : memref<28x128xi32, #tpu.memory_space<vmem>>, vector<1x16xi32>,
        %swap3A_150 = vector.shape_cast %swap3A_149 : vector<1x16xi32> to vector<16xi32>
        %swap3A_151 = vector.shape_cast %select_n3A_146 : vector<16xi32> to vector<1x16xi32>
        tpu.vector_store %arg8[%swap3A_147, %swap3A_148], %swap3A_151 {strides = array<i32>} : memref<28x128xi32, #tpu.memory_space<vmem>>, vector<1x16xi32>,
        %sub3A_152 = arith.constant 25000 : i32
        %sub3A_153 = vector.broadcast %sub3A_152 : i32 to vector<16xi32>
        %sub3A_154 = arith.subi %get3A_136, %sub3A_153 : vector<16xi32>
        %ge3A_155 = arith.constant 0 : i32
        %ge3A_156 = vector.broadcast %ge3A_155 : i32 to vector<16xi32>
        %ge3A_157 = arith.cmpi sge, %sub3A_154, %ge3A_156 : vector<16xi32>
        %lt3A_158 = arith.constant 25000 : i32
        %lt3A_159 = vector.broadcast %lt3A_158 : i32 to vector<16xi32>
        %lt3A_160 = arith.cmpi slt, %sub3A_154, %lt3A_159 : vector<16xi32>
        %and3A_161 = arith.andi %ge3A_157, %lt3A_160 : vector<16xi1>
        %jit3A_162 = arith.constant 25080 : i32
        %broadcast_in_dim3A_163 = vector.broadcast %jit3A_162 : i32 to vector<16xi32>
        %select_n3A_164 = arith.select %and3A_161, %sub3A_154, %broadcast_in_dim3A_163 : vector<16xi1>, vector<16xi32>
        %swap3A_165 = arith.index_cast %scan3A_19 : i32 to index
        %swap3A_166 = arith.constant 32 : index
        %swap3A_167 = tpu.vector_load %arg9[%swap3A_165, %swap3A_166] {strides = array<i32>} : memref<28x128xi32, #tpu.memory_space<vmem>>, vector<1x16xi32>,
        %swap3A_168 = vector.shape_cast %swap3A_167 : vector<1x16xi32> to vector<16xi32>
        %swap3A_169 = vector.shape_cast %select_n3A_164 : vector<16xi32> to vector<1x16xi32>
        tpu.vector_store %arg9[%swap3A_165, %swap3A_166], %swap3A_169 {strides = array<i32>} : memref<28x128xi32, #tpu.memory_space<vmem>>, vector<1x16xi32>,
        %get3A_170 = arith.index_cast %scan3A_19 : i32 to index
        %get3A_171 = arith.constant 48 : index
        %get3A_172 = tpu.vector_load %arg7[%get3A_170, %get3A_171] {strides = array<i32>} : memref<28x128xi32, #tpu.memory_space<vmem>>, vector<1x16xi32>,
        %get3A_173 = vector.shape_cast %get3A_172 : vector<1x16xi32> to vector<16xi32>
        %ge3A_174 = arith.constant 25000 : i32
        %ge3A_175 = vector.broadcast %ge3A_174 : i32 to vector<16xi32>
        %ge3A_176 = arith.cmpi sge, %get3A_173, %ge3A_175 : vector<16xi32>
        %add3A_177 = arith.constant 88 : i32
        %add3A_178 = vector.broadcast %add3A_177 : i32 to vector<16xi32>
        %add3A_179 = arith.addi %get3A_173, %add3A_178 : vector<16xi32>
        %select_n3A_180 = arith.select %ge3A_176, %add3A_179, %get3A_173 : vector<16xi1>, vector<16xi32>
        %swap3A_181 = arith.index_cast %scan3A_19 : i32 to index
        %swap3A_182 = arith.constant 48 : index
        %swap3A_183 = tpu.vector_load %arg10[%swap3A_181, %swap3A_182] {strides = array<i32>} : memref<28x128xi32, #tpu.memory_space<vmem>>, vector<1x16xi32>,
        %swap3A_184 = vector.shape_cast %swap3A_183 : vector<1x16xi32> to vector<16xi32>
        %swap3A_185 = vector.shape_cast %select_n3A_180 : vector<16xi32> to vector<1x16xi32>
        tpu.vector_store %arg10[%swap3A_181, %swap3A_182], %swap3A_185 {strides = array<i32>} : memref<28x128xi32, #tpu.memory_space<vmem>>, vector<1x16xi32>,
        %get3A_186 = arith.index_cast %scan3A_19 : i32 to index
        %get3A_187 = arith.constant 48 : index
        %get3A_188 = tpu.vector_load %arg6[%get3A_186, %get3A_187] {strides = array<i32>} : memref<28x128xi32, #tpu.memory_space<vmem>>, vector<1x16xi32>,
        %get3A_189 = vector.shape_cast %get3A_188 : vector<1x16xi32> to vector<16xi32>
        %ge3A_190 = arith.constant 0 : i32
        %ge3A_191 = vector.broadcast %ge3A_190 : i32 to vector<16xi32>
        %ge3A_192 = arith.cmpi sge, %get3A_189, %ge3A_191 : vector<16xi32>
        %lt3A_193 = arith.constant 25000 : i32
        %lt3A_194 = vector.broadcast %lt3A_193 : i32 to vector<16xi32>
        %lt3A_195 = arith.cmpi slt, %get3A_189, %lt3A_194 : vector<16xi32>
        %and3A_196 = arith.andi %ge3A_192, %lt3A_195 : vector<16xi1>
        %jit3A_197 = arith.constant 25080 : i32
        %broadcast_in_dim3A_198 = vector.broadcast %jit3A_197 : i32 to vector<16xi32>
        %select_n3A_199 = arith.select %and3A_196, %get3A_189, %broadcast_in_dim3A_198 : vector<16xi1>, vector<16xi32>
        %swap3A_200 = arith.index_cast %scan3A_19 : i32 to index
        %swap3A_201 = arith.constant 48 : index
        %swap3A_202 = tpu.vector_load %arg8[%swap3A_200, %swap3A_201] {strides = array<i32>} : memref<28x128xi32, #tpu.memory_space<vmem>>, vector<1x16xi32>,
        %swap3A_203 = vector.shape_cast %swap3A_202 : vector<1x16xi32> to vector<16xi32>
        %swap3A_204 = vector.shape_cast %select_n3A_199 : vector<16xi32> to vector<1x16xi32>
        tpu.vector_store %arg8[%swap3A_200, %swap3A_201], %swap3A_204 {strides = array<i32>} : memref<28x128xi32, #tpu.memory_space<vmem>>, vector<1x16xi32>,
        %sub3A_205 = arith.constant 25000 : i32
        %sub3A_206 = vector.broadcast %sub3A_205 : i32 to vector<16xi32>
        %sub3A_207 = arith.subi %get3A_189, %sub3A_206 : vector<16xi32>
        %ge3A_208 = arith.constant 0 : i32
        %ge3A_209 = vector.broadcast %ge3A_208 : i32 to vector<16xi32>
        %ge3A_210 = arith.cmpi sge, %sub3A_207, %ge3A_209 : vector<16xi32>
        %lt3A_211 = arith.constant 25000 : i32
        %lt3A_212 = vector.broadcast %lt3A_211 : i32 to vector<16xi32>
        %lt3A_213 = arith.cmpi slt, %sub3A_207, %lt3A_212 : vector<16xi32>
        %and3A_214 = arith.andi %ge3A_210, %lt3A_213 : vector<16xi1>
        %jit3A_215 = arith.constant 25080 : i32
        %broadcast_in_dim3A_216 = vector.broadcast %jit3A_215 : i32 to vector<16xi32>
        %select_n3A_217 = arith.select %and3A_214, %sub3A_207, %broadcast_in_dim3A_216 : vector<16xi1>, vector<16xi32>
        %swap3A_218 = arith.index_cast %scan3A_19 : i32 to index
        %swap3A_219 = arith.constant 48 : index
        %swap3A_220 = tpu.vector_load %arg9[%swap3A_218, %swap3A_219] {strides = array<i32>} : memref<28x128xi32, #tpu.memory_space<vmem>>, vector<1x16xi32>,
        %swap3A_221 = vector.shape_cast %swap3A_220 : vector<1x16xi32> to vector<16xi32>
        %swap3A_222 = vector.shape_cast %select_n3A_217 : vector<16xi32> to vector<1x16xi32>
        tpu.vector_store %arg9[%swap3A_218, %swap3A_219], %swap3A_222 {strides = array<i32>} : memref<28x128xi32, #tpu.memory_space<vmem>>, vector<1x16xi32>,
        %get3A_223 = arith.index_cast %scan3A_19 : i32 to index
        %get3A_224 = arith.constant 64 : index
        %get3A_225 = tpu.vector_load %arg7[%get3A_223, %get3A_224] {strides = array<i32>} : memref<28x128xi32, #tpu.memory_space<vmem>>, vector<1x16xi32>,
        %get3A_226 = vector.shape_cast %get3A_225 : vector<1x16xi32> to vector<16xi32>
        %ge3A_227 = arith.constant 25000 : i32
        %ge3A_228 = vector.broadcast %ge3A_227 : i32 to vector<16xi32>
        %ge3A_229 = arith.cmpi sge, %get3A_226, %ge3A_228 : vector<16xi32>
        %add3A_230 = arith.constant 88 : i32
        %add3A_231 = vector.broadcast %add3A_230 : i32 to vector<16xi32>
        %add3A_232 = arith.addi %get3A_226, %add3A_231 : vector<16xi32>
        %select_n3A_233 = arith.select %ge3A_229, %add3A_232, %get3A_226 : vector<16xi1>, vector<16xi32>
        %swap3A_234 = arith.index_cast %scan3A_19 : i32 to index
        %swap3A_235 = arith.constant 64 : index
        %swap3A_236 = tpu.vector_load %arg10[%swap3A_234, %swap3A_235] {strides = array<i32>} : memref<28x128xi32, #tpu.memory_space<vmem>>, vector<1x16xi32>,
        %swap3A_237 = vector.shape_cast %swap3A_236 : vector<1x16xi32> to vector<16xi32>
        %swap3A_238 = vector.shape_cast %select_n3A_233 : vector<16xi32> to vector<1x16xi32>
        tpu.vector_store %arg10[%swap3A_234, %swap3A_235], %swap3A_238 {strides = array<i32>} : memref<28x128xi32, #tpu.memory_space<vmem>>, vector<1x16xi32>,
        %get3A_239 = arith.index_cast %scan3A_19 : i32 to index
        %get3A_240 = arith.constant 64 : index
        %get3A_241 = tpu.vector_load %arg6[%get3A_239, %get3A_240] {strides = array<i32>} : memref<28x128xi32, #tpu.memory_space<vmem>>, vector<1x16xi32>,
        %get3A_242 = vector.shape_cast %get3A_241 : vector<1x16xi32> to vector<16xi32>
        %ge3A_243 = arith.constant 0 : i32
        %ge3A_244 = vector.broadcast %ge3A_243 : i32 to vector<16xi32>
        %ge3A_245 = arith.cmpi sge, %get3A_242, %ge3A_244 : vector<16xi32>
        %lt3A_246 = arith.constant 25000 : i32
        %lt3A_247 = vector.broadcast %lt3A_246 : i32 to vector<16xi32>
        %lt3A_248 = arith.cmpi slt, %get3A_242, %lt3A_247 : vector<16xi32>
        %and3A_249 = arith.andi %ge3A_245, %lt3A_248 : vector<16xi1>
        %jit3A_250 = arith.constant 25080 : i32
        %broadcast_in_dim3A_251 = vector.broadcast %jit3A_250 : i32 to vector<16xi32>
        %select_n3A_252 = arith.select %and3A_249, %get3A_242, %broadcast_in_dim3A_251 : vector<16xi1>, vector<16xi32>
        %swap3A_253 = arith.index_cast %scan3A_19 : i32 to index
        %swap3A_254 = arith.constant 64 : index
        %swap3A_255 = tpu.vector_load %arg8[%swap3A_253, %swap3A_254] {strides = array<i32>} : memref<28x128xi32, #tpu.memory_space<vmem>>, vector<1x16xi32>,
        %swap3A_256 = vector.shape_cast %swap3A_255 : vector<1x16xi32> to vector<16xi32>
        %swap3A_257 = vector.shape_cast %select_n3A_252 : vector<16xi32> to vector<1x16xi32>
        tpu.vector_store %arg8[%swap3A_253, %swap3A_254], %swap3A_257 {strides = array<i32>} : memref<28x128xi32, #tpu.memory_space<vmem>>, vector<1x16xi32>,
        %sub3A_258 = arith.constant 25000 : i32
        %sub3A_259 = vector.broadcast %sub3A_258 : i32 to vector<16xi32>
        %sub3A_260 = arith.subi %get3A_242, %sub3A_259 : vector<16xi32>
        %ge3A_261 = arith.constant 0 : i32
        %ge3A_262 = vector.broadcast %ge3A_261 : i32 to vector<16xi32>
        %ge3A_263 = arith.cmpi sge, %sub3A_260, %ge3A_262 : vector<16xi32>
        %lt3A_264 = arith.constant 25000 : i32
        %lt3A_265 = vector.broadcast %lt3A_264 : i32 to vector<16xi32>
        %lt3A_266 = arith.cmpi slt, %sub3A_260, %lt3A_265 : vector<16xi32>
        %and3A_267 = arith.andi %ge3A_263, %lt3A_266 : vector<16xi1>
        %jit3A_268 = arith.constant 25080 : i32
        %broadcast_in_dim3A_269 = vector.broadcast %jit3A_268 : i32 to vector<16xi32>
        %select_n3A_270 = arith.select %and3A_267, %sub3A_260, %broadcast_in_dim3A_269 : vector<16xi1>, vector<16xi32>
        %swap3A_271 = arith.index_cast %scan3A_19 : i32 to index
        %swap3A_272 = arith.constant 64 : index
        %swap3A_273 = tpu.vector_load %arg9[%swap3A_271, %swap3A_272] {strides = array<i32>} : memref<28x128xi32, #tpu.memory_space<vmem>>, vector<1x16xi32>,
        %swap3A_274 = vector.shape_cast %swap3A_273 : vector<1x16xi32> to vector<16xi32>
        %swap3A_275 = vector.shape_cast %select_n3A_270 : vector<16xi32> to vector<1x16xi32>
        tpu.vector_store %arg9[%swap3A_271, %swap3A_272], %swap3A_275 {strides = array<i32>} : memref<28x128xi32, #tpu.memory_space<vmem>>, vector<1x16xi32>,
        %get3A_276 = arith.index_cast %scan3A_19 : i32 to index
        %get3A_277 = arith.constant 80 : index
        %get3A_278 = tpu.vector_load %arg7[%get3A_276, %get3A_277] {strides = array<i32>} : memref<28x128xi32, #tpu.memory_space<vmem>>, vector<1x16xi32>,
        %get3A_279 = vector.shape_cast %get3A_278 : vector<1x16xi32> to vector<16xi32>
        %ge3A_280 = arith.constant 25000 : i32
        %ge3A_281 = vector.broadcast %ge3A_280 : i32 to vector<16xi32>
        %ge3A_282 = arith.cmpi sge, %get3A_279, %ge3A_281 : vector<16xi32>
        %add3A_283 = arith.constant 88 : i32
        %add3A_284 = vector.broadcast %add3A_283 : i32 to vector<16xi32>
        %add3A_285 = arith.addi %get3A_279, %add3A_284 : vector<16xi32>
        %select_n3A_286 = arith.select %ge3A_282, %add3A_285, %get3A_279 : vector<16xi1>, vector<16xi32>
        %swap3A_287 = arith.index_cast %scan3A_19 : i32 to index
        %swap3A_288 = arith.constant 80 : index
        %swap3A_289 = tpu.vector_load %arg10[%swap3A_287, %swap3A_288] {strides = array<i32>} : memref<28x128xi32, #tpu.memory_space<vmem>>, vector<1x16xi32>,
        %swap3A_290 = vector.shape_cast %swap3A_289 : vector<1x16xi32> to vector<16xi32>
        %swap3A_291 = vector.shape_cast %select_n3A_286 : vector<16xi32> to vector<1x16xi32>
        tpu.vector_store %arg10[%swap3A_287, %swap3A_288], %swap3A_291 {strides = array<i32>} : memref<28x128xi32, #tpu.memory_space<vmem>>, vector<1x16xi32>,
        %get3A_292 = arith.index_cast %scan3A_19 : i32 to index
        %get3A_293 = arith.constant 80 : index
        %get3A_294 = tpu.vector_load %arg6[%get3A_292, %get3A_293] {strides = array<i32>} : memref<28x128xi32, #tpu.memory_space<vmem>>, vector<1x16xi32>,
        %get3A_295 = vector.shape_cast %get3A_294 : vector<1x16xi32> to vector<16xi32>
        %ge3A_296 = arith.constant 0 : i32
        %ge3A_297 = vector.broadcast %ge3A_296 : i32 to vector<16xi32>
        %ge3A_298 = arith.cmpi sge, %get3A_295, %ge3A_297 : vector<16xi32>
        %lt3A_299 = arith.constant 25000 : i32
        %lt3A_300 = vector.broadcast %lt3A_299 : i32 to vector<16xi32>
        %lt3A_301 = arith.cmpi slt, %get3A_295, %lt3A_300 : vector<16xi32>
        %and3A_302 = arith.andi %ge3A_298, %lt3A_301 : vector<16xi1>
        %jit3A_303 = arith.constant 25080 : i32
        %broadcast_in_dim3A_304 = vector.broadcast %jit3A_303 : i32 to vector<16xi32>
        %select_n3A_305 = arith.select %and3A_302, %get3A_295, %broadcast_in_dim3A_304 : vector<16xi1>, vector<16xi32>
        %swap3A_306 = arith.index_cast %scan3A_19 : i32 to index
        %swap3A_307 = arith.constant 80 : index
        %swap3A_308 = tpu.vector_load %arg8[%swap3A_306, %swap3A_307] {strides = array<i32>} : memref<28x128xi32, #tpu.memory_space<vmem>>, vector<1x16xi32>,
        %swap3A_309 = vector.shape_cast %swap3A_308 : vector<1x16xi32> to vector<16xi32>
        %swap3A_310 = vector.shape_cast %select_n3A_305 : vector<16xi32> to vector<1x16xi32>
        tpu.vector_store %arg8[%swap3A_306, %swap3A_307], %swap3A_310 {strides = array<i32>} : memref<28x128xi32, #tpu.memory_space<vmem>>, vector<1x16xi32>,
        %sub3A_311 = arith.constant 25000 : i32
        %sub3A_312 = vector.broadcast %sub3A_311 : i32 to vector<16xi32>
        %sub3A_313 = arith.subi %get3A_295, %sub3A_312 : vector<16xi32>
        %ge3A_314 = arith.constant 0 : i32
        %ge3A_315 = vector.broadcast %ge3A_314 : i32 to vector<16xi32>
        %ge3A_316 = arith.cmpi sge, %sub3A_313, %ge3A_315 : vector<16xi32>
        %lt3A_317 = arith.constant 25000 : i32
        %lt3A_318 = vector.broadcast %lt3A_317 : i32 to vector<16xi32>
        %lt3A_319 = arith.cmpi slt, %sub3A_313, %lt3A_318 : vector<16xi32>
        %and3A_320 = arith.andi %ge3A_316, %lt3A_319 : vector<16xi1>
        %jit3A_321 = arith.constant 25080 : i32
        %broadcast_in_dim3A_322 = vector.broadcast %jit3A_321 : i32 to vector<16xi32>
        %select_n3A_323 = arith.select %and3A_320, %sub3A_313, %broadcast_in_dim3A_322 : vector<16xi1>, vector<16xi32>
        %swap3A_324 = arith.index_cast %scan3A_19 : i32 to index
        %swap3A_325 = arith.constant 80 : index
        %swap3A_326 = tpu.vector_load %arg9[%swap3A_324, %swap3A_325] {strides = array<i32>} : memref<28x128xi32, #tpu.memory_space<vmem>>, vector<1x16xi32>,
        %swap3A_327 = vector.shape_cast %swap3A_326 : vector<1x16xi32> to vector<16xi32>
        %swap3A_328 = vector.shape_cast %select_n3A_323 : vector<16xi32> to vector<1x16xi32>
        tpu.vector_store %arg9[%swap3A_324, %swap3A_325], %swap3A_328 {strides = array<i32>} : memref<28x128xi32, #tpu.memory_space<vmem>>, vector<1x16xi32>,
        %get3A_329 = arith.index_cast %scan3A_19 : i32 to index
        %get3A_330 = arith.constant 96 : index
        %get3A_331 = tpu.vector_load %arg7[%get3A_329, %get3A_330] {strides = array<i32>} : memref<28x128xi32, #tpu.memory_space<vmem>>, vector<1x16xi32>,
        %get3A_332 = vector.shape_cast %get3A_331 : vector<1x16xi32> to vector<16xi32>
        %ge3A_333 = arith.constant 25000 : i32
        %ge3A_334 = vector.broadcast %ge3A_333 : i32 to vector<16xi32>
        %ge3A_335 = arith.cmpi sge, %get3A_332, %ge3A_334 : vector<16xi32>
        %add3A_336 = arith.constant 88 : i32
        %add3A_337 = vector.broadcast %add3A_336 : i32 to vector<16xi32>
        %add3A_338 = arith.addi %get3A_332, %add3A_337 : vector<16xi32>
        %select_n3A_339 = arith.select %ge3A_335, %add3A_338, %get3A_332 : vector<16xi1>, vector<16xi32>
        %swap3A_340 = arith.index_cast %scan3A_19 : i32 to index
        %swap3A_341 = arith.constant 96 : index
        %swap3A_342 = tpu.vector_load %arg10[%swap3A_340, %swap3A_341] {strides = array<i32>} : memref<28x128xi32, #tpu.memory_space<vmem>>, vector<1x16xi32>,
        %swap3A_343 = vector.shape_cast %swap3A_342 : vector<1x16xi32> to vector<16xi32>
        %swap3A_344 = vector.shape_cast %select_n3A_339 : vector<16xi32> to vector<1x16xi32>
        tpu.vector_store %arg10[%swap3A_340, %swap3A_341], %swap3A_344 {strides = array<i32>} : memref<28x128xi32, #tpu.memory_space<vmem>>, vector<1x16xi32>,
        %get3A_345 = arith.index_cast %scan3A_19 : i32 to index
        %get3A_346 = arith.constant 96 : index
        %get3A_347 = tpu.vector_load %arg6[%get3A_345, %get3A_346] {strides = array<i32>} : memref<28x128xi32, #tpu.memory_space<vmem>>, vector<1x16xi32>,
        %get3A_348 = vector.shape_cast %get3A_347 : vector<1x16xi32> to vector<16xi32>
        %ge3A_349 = arith.constant 0 : i32
        %ge3A_350 = vector.broadcast %ge3A_349 : i32 to vector<16xi32>
        %ge3A_351 = arith.cmpi sge, %get3A_348, %ge3A_350 : vector<16xi32>
        %lt3A_352 = arith.constant 25000 : i32
        %lt3A_353 = vector.broadcast %lt3A_352 : i32 to vector<16xi32>
        %lt3A_354 = arith.cmpi slt, %get3A_348, %lt3A_353 : vector<16xi32>
        %and3A_355 = arith.andi %ge3A_351, %lt3A_354 : vector<16xi1>
        %jit3A_356 = arith.constant 25080 : i32
        %broadcast_in_dim3A_357 = vector.broadcast %jit3A_356 : i32 to vector<16xi32>
        %select_n3A_358 = arith.select %and3A_355, %get3A_348, %broadcast_in_dim3A_357 : vector<16xi1>, vector<16xi32>
        %swap3A_359 = arith.index_cast %scan3A_19 : i32 to index
        %swap3A_360 = arith.constant 96 : index
        %swap3A_361 = tpu.vector_load %arg8[%swap3A_359, %swap3A_360] {strides = array<i32>} : memref<28x128xi32, #tpu.memory_space<vmem>>, vector<1x16xi32>,
        %swap3A_362 = vector.shape_cast %swap3A_361 : vector<1x16xi32> to vector<16xi32>
        %swap3A_363 = vector.shape_cast %select_n3A_358 : vector<16xi32> to vector<1x16xi32>
        tpu.vector_store %arg8[%swap3A_359, %swap3A_360], %swap3A_363 {strides = array<i32>} : memref<28x128xi32, #tpu.memory_space<vmem>>, vector<1x16xi32>,
        %sub3A_364 = arith.constant 25000 : i32
        %sub3A_365 = vector.broadcast %sub3A_364 : i32 to vector<16xi32>
        %sub3A_366 = arith.subi %get3A_348, %sub3A_365 : vector<16xi32>
        %ge3A_367 = arith.constant 0 : i32
        %ge3A_368 = vector.broadcast %ge3A_367 : i32 to vector<16xi32>
        %ge3A_369 = arith.cmpi sge, %sub3A_366, %ge3A_368 : vector<16xi32>
        %lt3A_370 = arith.constant 25000 : i32
        %lt3A_371 = vector.broadcast %lt3A_370 : i32 to vector<16xi32>
        %lt3A_372 = arith.cmpi slt, %sub3A_366, %lt3A_371 : vector<16xi32>
        %and3A_373 = arith.andi %ge3A_369, %lt3A_372 : vector<16xi1>
        %jit3A_374 = arith.constant 25080 : i32
        %broadcast_in_dim3A_375 = vector.broadcast %jit3A_374 : i32 to vector<16xi32>
        %select_n3A_376 = arith.select %and3A_373, %sub3A_366, %broadcast_in_dim3A_375 : vector<16xi1>, vector<16xi32>
        %swap3A_377 = arith.index_cast %scan3A_19 : i32 to index
        %swap3A_378 = arith.constant 96 : index
        %swap3A_379 = tpu.vector_load %arg9[%swap3A_377, %swap3A_378] {strides = array<i32>} : memref<28x128xi32, #tpu.memory_space<vmem>>, vector<1x16xi32>,
        %swap3A_380 = vector.shape_cast %swap3A_379 : vector<1x16xi32> to vector<16xi32>
        %swap3A_381 = vector.shape_cast %select_n3A_376 : vector<16xi32> to vector<1x16xi32>
        tpu.vector_store %arg9[%swap3A_377, %swap3A_378], %swap3A_381 {strides = array<i32>} : memref<28x128xi32, #tpu.memory_space<vmem>>, vector<1x16xi32>,
        %get3A_382 = arith.index_cast %scan3A_19 : i32 to index
        %get3A_383 = arith.constant 112 : index
        %get3A_384 = tpu.vector_load %arg7[%get3A_382, %get3A_383] {strides = array<i32>} : memref<28x128xi32, #tpu.memory_space<vmem>>, vector<1x16xi32>,
        %get3A_385 = vector.shape_cast %get3A_384 : vector<1x16xi32> to vector<16xi32>
        %ge3A_386 = arith.constant 25000 : i32
        %ge3A_387 = vector.broadcast %ge3A_386 : i32 to vector<16xi32>
        %ge3A_388 = arith.cmpi sge, %get3A_385, %ge3A_387 : vector<16xi32>
        %add3A_389 = arith.constant 88 : i32
        %add3A_390 = vector.broadcast %add3A_389 : i32 to vector<16xi32>
        %add3A_391 = arith.addi %get3A_385, %add3A_390 : vector<16xi32>
        %select_n3A_392 = arith.select %ge3A_388, %add3A_391, %get3A_385 : vector<16xi1>, vector<16xi32>
        %swap3A_393 = arith.index_cast %scan3A_19 : i32 to index
        %swap3A_394 = arith.constant 112 : index
        %swap3A_395 = tpu.vector_load %arg10[%swap3A_393, %swap3A_394] {strides = array<i32>} : memref<28x128xi32, #tpu.memory_space<vmem>>, vector<1x16xi32>,
        %swap3A_396 = vector.shape_cast %swap3A_395 : vector<1x16xi32> to vector<16xi32>
        %swap3A_397 = vector.shape_cast %select_n3A_392 : vector<16xi32> to vector<1x16xi32>
        tpu.vector_store %arg10[%swap3A_393, %swap3A_394], %swap3A_397 {strides = array<i32>} : memref<28x128xi32, #tpu.memory_space<vmem>>, vector<1x16xi32>,
        %get3A_398 = arith.index_cast %scan3A_19 : i32 to index
        %get3A_399 = arith.constant 112 : index
        %get3A_400 = tpu.vector_load %arg6[%get3A_398, %get3A_399] {strides = array<i32>} : memref<28x128xi32, #tpu.memory_space<vmem>>, vector<1x16xi32>,
        %get3A_401 = vector.shape_cast %get3A_400 : vector<1x16xi32> to vector<16xi32>
        %ge3A_402 = arith.constant 0 : i32
        %ge3A_403 = vector.broadcast %ge3A_402 : i32 to vector<16xi32>
        %ge3A_404 = arith.cmpi sge, %get3A_401, %ge3A_403 : vector<16xi32>
        %lt3A_405 = arith.constant 25000 : i32
        %lt3A_406 = vector.broadcast %lt3A_405 : i32 to vector<16xi32>
        %lt3A_407 = arith.cmpi slt, %get3A_401, %lt3A_406 : vector<16xi32>
        %and3A_408 = arith.andi %ge3A_404, %lt3A_407 : vector<16xi1>
        %jit3A_409 = arith.constant 25080 : i32
        %broadcast_in_dim3A_410 = vector.broadcast %jit3A_409 : i32 to vector<16xi32>
        %select_n3A_411 = arith.select %and3A_408, %get3A_401, %broadcast_in_dim3A_410 : vector<16xi1>, vector<16xi32>
        %swap3A_412 = arith.index_cast %scan3A_19 : i32 to index
        %swap3A_413 = arith.constant 112 : index
        %swap3A_414 = tpu.vector_load %arg8[%swap3A_412, %swap3A_413] {strides = array<i32>} : memref<28x128xi32, #tpu.memory_space<vmem>>, vector<1x16xi32>,
        %swap3A_415 = vector.shape_cast %swap3A_414 : vector<1x16xi32> to vector<16xi32>
        %swap3A_416 = vector.shape_cast %select_n3A_411 : vector<16xi32> to vector<1x16xi32>
        tpu.vector_store %arg8[%swap3A_412, %swap3A_413], %swap3A_416 {strides = array<i32>} : memref<28x128xi32, #tpu.memory_space<vmem>>, vector<1x16xi32>,
        %sub3A_417 = arith.constant 25000 : i32
        %sub3A_418 = vector.broadcast %sub3A_417 : i32 to vector<16xi32>
        %sub3A_419 = arith.subi %get3A_401, %sub3A_418 : vector<16xi32>
        %ge3A_420 = arith.constant 0 : i32
        %ge3A_421 = vector.broadcast %ge3A_420 : i32 to vector<16xi32>
        %ge3A_422 = arith.cmpi sge, %sub3A_419, %ge3A_421 : vector<16xi32>
        %lt3A_423 = arith.constant 25000 : i32
        %lt3A_424 = vector.broadcast %lt3A_423 : i32 to vector<16xi32>
        %lt3A_425 = arith.cmpi slt, %sub3A_419, %lt3A_424 : vector<16xi32>
        %and3A_426 = arith.andi %ge3A_422, %lt3A_425 : vector<16xi1>
        %jit3A_427 = arith.constant 25080 : i32
        %broadcast_in_dim3A_428 = vector.broadcast %jit3A_427 : i32 to vector<16xi32>
        %select_n3A_429 = arith.select %and3A_426, %sub3A_419, %broadcast_in_dim3A_428 : vector<16xi1>, vector<16xi32>
        %swap3A_430 = arith.index_cast %scan3A_19 : i32 to index
        %swap3A_431 = arith.constant 112 : index
        %swap3A_432 = tpu.vector_load %arg9[%swap3A_430, %swap3A_431] {strides = array<i32>} : memref<28x128xi32, #tpu.memory_space<vmem>>, vector<1x16xi32>,
        %swap3A_433 = vector.shape_cast %swap3A_432 : vector<1x16xi32> to vector<16xi32>
        %swap3A_434 = vector.shape_cast %select_n3A_429 : vector<16xi32> to vector<1x16xi32>
        tpu.vector_store %arg9[%swap3A_430, %swap3A_431], %swap3A_434 {strides = array<i32>} : memref<28x128xi32, #tpu.memory_space<vmem>>, vector<1x16xi32>,
      }
      %scan3A_17 = arith.constant 28 : i32
      %run_scoped3A = arith.constant 0 : i32
      "tpu.region"() ({
        %run_scoped3A_19 = tpu.sem_alloc : memref<!tpu.dma_semaphore, #tpu.memory_space<semaphore_mem>>
        %dma_start3A = arith.constant 0 : i32
        %dma_start3A_20 = tpu.memref_slice %arg4[%run_scoped3A, %add3A_11, %dma_start3A] : memref<2x6272x128xi32, #tpu.memory_space<hbm>> -> memref<1x28x128xi32, #tpu.memory_space<hbm>>
        %dma_start3A_21 = tpu.memref_squeeze %dma_start3A_20 : memref<1x28x128xi32, #tpu.memory_space<hbm>> -> memref<28x128xi32, #tpu.memory_space<hbm>>
        %dma_start3A_22 = arith.constant 0 : i32
        %dma_start3A_23 = tpu.memref_slice %arg4[%run_scoped3A, %add3A_11, %dma_start3A_22] : memref<2x6272x128xi32, #tpu.memory_space<hbm>> -> memref<1x28x128xi32, #tpu.memory_space<hbm>>
        %dma_start3A_24 = tpu.memref_squeeze %dma_start3A_23 : memref<1x28x128xi32, #tpu.memory_space<hbm>> -> memref<28x128xi32, #tpu.memory_space<hbm>>
        tpu.enqueue_dma source(%arg8 : memref<28x128xi32, #tpu.memory_space<vmem>>) target(%dma_start3A_24 : memref<28x128xi32, #tpu.memory_space<hbm>>) target_semaphore(%run_scoped3A_19 : memref<!tpu.dma_semaphore, #tpu.memory_space<semaphore_mem>>)
        %dma_wait3A = arith.constant 0 : i32
        %dma_wait3A_25 = tpu.memref_slice %arg4[%run_scoped3A, %add3A_11, %dma_wait3A] : memref<2x6272x128xi32, #tpu.memory_space<hbm>> -> memref<1x28x128xi32, #tpu.memory_space<hbm>>
        %dma_wait3A_26 = tpu.memref_squeeze %dma_wait3A_25 : memref<1x28x128xi32, #tpu.memory_space<hbm>> -> memref<28x128xi32, #tpu.memory_space<hbm>>
        %dma_wait3A_27 = arith.constant 0 : i32
        %dma_wait3A_28 = tpu.memref_slice %arg4[%run_scoped3A, %add3A_11, %dma_wait3A_27] : memref<2x6272x128xi32, #tpu.memory_space<hbm>> -> memref<1x28x128xi32, #tpu.memory_space<hbm>>
        %dma_wait3A_29 = tpu.memref_squeeze %dma_wait3A_28 : memref<1x28x128xi32, #tpu.memory_space<hbm>> -> memref<28x128xi32, #tpu.memory_space<hbm>>
        tpu.wait_dma2 semaphore(%run_scoped3A_19 : memref<!tpu.dma_semaphore, #tpu.memory_space<semaphore_mem>>) src(%arg8 : memref<28x128xi32, #tpu.memory_space<vmem>>) dst(%dma_wait3A_29 : memref<28x128xi32, #tpu.memory_space<hbm>>)
        tpu.yield
      }) : () -> ()
      %run_scoped3A_18 = arith.constant 1 : i32
      "tpu.region"() ({
        %run_scoped3A_19 = tpu.sem_alloc : memref<!tpu.dma_semaphore, #tpu.memory_space<semaphore_mem>>
        %dma_start3A = arith.constant 0 : i32
        %dma_start3A_20 = tpu.memref_slice %arg4[%run_scoped3A_18, %add3A_11, %dma_start3A] : memref<2x6272x128xi32, #tpu.memory_space<hbm>> -> memref<1x28x128xi32, #tpu.memory_space<hbm>>
        %dma_start3A_21 = tpu.memref_squeeze %dma_start3A_20 : memref<1x28x128xi32, #tpu.memory_space<hbm>> -> memref<28x128xi32, #tpu.memory_space<hbm>>
        %dma_start3A_22 = arith.constant 0 : i32
        %dma_start3A_23 = tpu.memref_slice %arg4[%run_scoped3A_18, %add3A_11, %dma_start3A_22] : memref<2x6272x128xi32, #tpu.memory_space<hbm>> -> memref<1x28x128xi32, #tpu.memory_space<hbm>>
        %dma_start3A_24 = tpu.memref_squeeze %dma_start3A_23 : memref<1x28x128xi32, #tpu.memory_space<hbm>> -> memref<28x128xi32, #tpu.memory_space<hbm>>
        tpu.enqueue_dma source(%arg9 : memref<28x128xi32, #tpu.memory_space<vmem>>) target(%dma_start3A_24 : memref<28x128xi32, #tpu.memory_space<hbm>>) target_semaphore(%run_scoped3A_19 : memref<!tpu.dma_semaphore, #tpu.memory_space<semaphore_mem>>)
        %dma_wait3A = arith.constant 0 : i32
        %dma_wait3A_25 = tpu.memref_slice %arg4[%run_scoped3A_18, %add3A_11, %dma_wait3A] : memref<2x6272x128xi32, #tpu.memory_space<hbm>> -> memref<1x28x128xi32, #tpu.memory_space<hbm>>
        %dma_wait3A_26 = tpu.memref_squeeze %dma_wait3A_25 : memref<1x28x128xi32, #tpu.memory_space<hbm>> -> memref<28x128xi32, #tpu.memory_space<hbm>>
        %dma_wait3A_27 = arith.constant 0 : i32
        %dma_wait3A_28 = tpu.memref_slice %arg4[%run_scoped3A_18, %add3A_11, %dma_wait3A_27] : memref<2x6272x128xi32, #tpu.memory_space<hbm>> -> memref<1x28x128xi32, #tpu.memory_space<hbm>>
        %dma_wait3A_29 = tpu.memref_squeeze %dma_wait3A_28 : memref<1x28x128xi32, #tpu.memory_space<hbm>> -> memref<28x128xi32, #tpu.memory_space<hbm>>
        tpu.wait_dma2 semaphore(%run_scoped3A_19 : memref<!tpu.dma_semaphore, #tpu.memory_space<semaphore_mem>>) src(%arg9 : memref<28x128xi32, #tpu.memory_space<vmem>>) dst(%dma_wait3A_29 : memref<28x128xi32, #tpu.memory_space<hbm>>)
        tpu.yield
      }) : () -> ()
      "tpu.region"() ({
        %run_scoped3A_19 = tpu.sem_alloc : memref<!tpu.dma_semaphore, #tpu.memory_space<semaphore_mem>>
        %dma_start3A = arith.constant 0 : i32
        %dma_start3A_20 = tpu.memref_slice %arg5[%add3A_11, %dma_start3A] : memref<6272x128xi32, #tpu.memory_space<hbm>> -> memref<28x128xi32, #tpu.memory_space<hbm>>
        %dma_start3A_21 = arith.constant 0 : i32
        %dma_start3A_22 = tpu.memref_slice %arg5[%add3A_11, %dma_start3A_21] : memref<6272x128xi32, #tpu.memory_space<hbm>> -> memref<28x128xi32, #tpu.memory_space<hbm>>
        tpu.enqueue_dma source(%arg10 : memref<28x128xi32, #tpu.memory_space<vmem>>) target(%dma_start3A_22 : memref<28x128xi32, #tpu.memory_space<hbm>>) target_semaphore(%run_scoped3A_19 : memref<!tpu.dma_semaphore, #tpu.memory_space<semaphore_mem>>)
        %dma_wait3A = arith.constant 0 : i32
        %dma_wait3A_23 = tpu.memref_slice %arg5[%add3A_11, %dma_wait3A] : memref<6272x128xi32, #tpu.memory_space<hbm>> -> memref<28x128xi32, #tpu.memory_space<hbm>>
        %dma_wait3A_24 = arith.constant 0 : i32
        %dma_wait3A_25 = tpu.memref_slice %arg5[%add3A_11, %dma_wait3A_24] : memref<6272x128xi32, #tpu.memory_space<hbm>> -> memref<28x128xi32, #tpu.memory_space<hbm>>
        tpu.wait_dma2 semaphore(%run_scoped3A_19 : memref<!tpu.dma_semaphore, #tpu.memory_space<semaphore_mem>>) src(%arg10 : memref<28x128xi32, #tpu.memory_space<vmem>>) dst(%dma_wait3A_25 : memref<28x128xi32, #tpu.memory_space<hbm>>)
        tpu.yield
      }) : () -> ()
    }
    %scan3A_5 = arith.constant 7 : i32
    return
  }
}

</mosaic_0001>

<sc_bundles>
// kernel: _prep.3.cloned.1.call-start
scs
__scs_entry_jumppad:
0x0: {  	(pc) =	sbr.rel $0x88, $3  }
0x1: {  	(tag) =	ssettag $0x0;
	lr =	simm.s32 $0x1  }
0x2: {  	[smem:$0x3F9F] =	sst lr;
	_ =	strace $0xD0000000  }
0x3: {  	_ = 	snop  }
0x4: {  	_ = 	snop  }
0x5: {  	_ = 	snop  }
0x6: {  	_ = 	snop  }
0x7: {  	_ = 	snop  }
__scs_overlays_trampoline_lowered:
0x8: {  	[smem:$0x3FAE] =	sst s0  }
0x9: {  	[smem:$0x3FAF] =	sst s1  }
0xa: {  	[smem:$0x3FB0] =	sst s2  }
0xb: {  	[smem:$0x3FB1] =	sst s3  }
0xc: {  	[smem:$0x3FB2] =	sst s4  }
0xd: {  	[smem:$0x3FB3] =	sst s5  }
0xe: {  	[smem:$0x3FB4] =	sst s6  }
0xf: {  	[smem:$0x3FB5] =	sst s7  }
0x10: {  	[smem:$0x3FB6] =	sst s8  }
0x11: {  	[smem:$0x3FB7] =	sst s9;
	s0 =	simm.s32 @!p0 $0x0  }
0x12: {  	s1 =	sld [smem:$0x3F9D];
	s0 =	simm.s32 @p0 $0x1  }
0x13: {  	[smem:$0x3FB8] =	sst s0;
	s0 =	simm.s32 @!p1 $0x0  }
0x14: {  	s2 =	sld [smem:$0x3F9C];
	s0 =	simm.s32 @p1 $0x1  }
0x15: {  	[smem:$0x3FB9] =	sst s0;
	s0 =	simm.s32 @!p2 $0x0  }
0x16: {  	s3 =	sld [smem:$0x3FDB];
	s0 =	simm.s32 @p2 $0x1  }
0x17: {  	s4 =	simm.s32 $0x1BF5;
	[smem:$0x3FBB] =	sst s0  }
0x18: {  	s0 =	sld [smem:$0x3F9E];
	_ =	swait.ge [sflag:s4], $0x0  }
0x19: {  	s7 =	sld [smem:$0x3F9F]  }
0x1a: {  	s8 =	sadd.s32 $0xFFFFE003, lr  }
0x1b: {  	s9 =	sadd.s32 $0xFFFFFEF7, lr;
	s5 =	simm.s32 $0xFFFFFFFF;
	p2 =	slt.u32 s8, $0xFFFFF086  }
0x1c: {  	p1 =	slt.u32 s9, $0xF7A;
	s5 =	simm.s32 @!p2 $0x0  }
0x1d: {  	s5 =	simm.s32 @p1 $0x1;
	p0 =	seq.s32 s7, s2  }
0x1e: {  	s7 =	smul.u32 @!p0 $0xF7A, s2;
	p2 =	seq.s32 @!p0 s5, $0x0  }
0x1f: {  	s9 =	smul.u32 $0xF7A, s1;
	s8 =	simm.s32 @!p0 $0x1BF5;
	p2 =	por !p2, p0  }
0x20: {  	[sflag:s8] =	ssyncset.s32 @!p0 $0xFFFFF086;
	s6 =	sadd.s32 @!p0 s3, s7;
	s7 =	simm.s32 @!p0 $0x108  }
0x21: {  	s3 =	sadd.s32 s3, s9;
	s6 =	sadd.s32 @!p0 $0x88, s6;
	s7 =	simm.s32 @p2 $0x1082  }
0x22: {  	[simem:s7], [sflag:s8] =	dma.local @!p0 [hbm:s6], $0xF7A  }
0x23: {  	s9 =	sor.u32 $0xD0000000, s2;
	s6 =	simm.s32 $0x108;
	_ =	swait.ge @!p0 [sflag:s8], $0x0  }
0x24: {  	s3 =	sadd.s32 $0x88, s3;
	s6 =	simm.s32 @!p1 $0x1082;
	[sflag:s4] =	ssyncset.s32 $0xFFFFF086  }
0x25: {  	[simem:s6], [sflag:s4] =	dma.local [hbm:s3], $0xF7A  }
0x26: {  	[smem:$0x3F9F] =	sst s1;
	(tag) =	ssettag s2;
	_ =	strace s9  }
0x27: {  	s1 =	sld [smem:$0x3FAF]  }
0x28: {  	s2 =	sld [smem:$0x3FB0]  }
0x29: {  	s4 =	sld [smem:$0x3FB2]  }
0x2a: {  	p0 =	seq.s32 s5, $0x0;
	s5 =	sld [smem:$0x3FB3]  }
0x2b: {  	s6 =	sld [smem:$0x3FB4]  }
0x2c: {  	s7 =	sld [smem:$0x3FB5]  }
0x2d: {  	s3 =	simm.s32 $0x108;
	s8 =	sld [smem:$0x3FB6]  }
0x2e: {  	s3 =	simm.s32 @!p0 $0x1082;
	s9 =	sld [smem:$0x3FB7]  }
0x2f: {  	lr =	sadd.s32 s0, s3;
	s0 =	sld [smem:$0x3FAE]  }
0x30: {  	s3 =	sld [smem:$0x3FB1]  }
0x31: {  	[smem:$0x3FBA] =	sst s10  }
0x32: {  	s10 =	sld [smem:$0x3FB8];
	_ =	sdelay $0x3  }
0x33: {  	p0 =	seq.s32 s10, $0x1;
	s10 =	sld [smem:$0x3FBA];
	_ =	sdelay $0x3  }
0x34: {  	[smem:$0x3FBA] =	sst s10  }
0x35: {  	s10 =	sld [smem:$0x3FB9];
	_ =	sdelay $0x3  }
0x36: {  	p1 =	seq.s32 s10, $0x1;
	s10 =	sld [smem:$0x3FBA];
	_ =	sdelay $0x3  }
0x37: {  	[smem:$0x3FBA] =	sst s10  }
0x38: {  	s10 =	sld [smem:$0x3FBB]  }
0x39: {  	_ = 	snop;
	(pc) =	sbr.ind lr, $3  }
0x3a: {  	_ = 	snop  }
0x3b: {  	_ = 	snop  }
0x3c: {  	p2 =	seq.s32 s10, $0x1;
	s10 =	sld [smem:$0x3FBA]  }
0x3d: {  	_ =	shalt  }
0x3e: {  	_ =	shalt  }
0x3f: {  	_ =	shalt  }
0x40: {  	_ =	shalt  }
0x41: {  	_ =	shalt  }
0x42: {  	_ =	shalt  }
0x43: {  	_ =	shalt  }
0x44: {  	_ =	shalt  }
0x45: {  	_ =	shalt  }
0x46: {  	_ =	shalt  }
0x47: {  	_ =	shalt  }
0x48: {  	_ =	shalt  }
0x49: {  	_ =	shalt  }
0x4a: {  	_ =	shalt  }
0x4b: {  	_ =	shalt  }
0x4c: {  	_ =	shalt  }
0x4d: {  	_ =	shalt  }
0x4e: {  	_ =	shalt  }
0x4f: {  	_ =	shalt  }
0x50: {  	_ =	shalt  }
0x51: {  	_ =	shalt  }
0x52: {  	_ =	shalt  }
0x53: {  	_ =	shalt  }
0x54: {  	_ =	shalt  }
0x55: {  	_ =	shalt  }
0x56: {  	_ =	shalt  }
0x57: {  	_ =	shalt  }
0x58: {  	_ =	shalt  }
0x59: {  	_ =	shalt  }
0x5a: {  	_ =	shalt  }
0x5b: {  	_ =	shalt  }
0x5c: {  	_ =	shalt  }
0x5d: {  	_ =	shalt  }
0x5e: {  	_ =	shalt  }
0x5f: {  	_ =	shalt  }
0x60: {  	_ =	shalt  }
0x61: {  	_ =	shalt  }
0x62: {  	_ =	shalt  }
0x63: {  	_ =	shalt  }
0x64: {  	_ =	shalt  }
0x65: {  	_ =	shalt  }
0x66: {  	_ =	shalt  }
0x67: {  	_ =	shalt  }
0x68: {  	_ =	shalt  }
0x69: {  	_ =	shalt  }
0x6a: {  	_ =	shalt  }
0x6b: {  	_ =	shalt  }
0x6c: {  	_ =	shalt  }
0x6d: {  	_ =	shalt  }
0x6e: {  	_ =	shalt  }
0x6f: {  	_ =	shalt  }
0x70: {  	_ =	shalt  }
0x71: {  	_ =	shalt  }
0x72: {  	_ =	shalt  }
0x73: {  	_ =	shalt  }
0x74: {  	_ =	shalt  }
0x75: {  	_ =	shalt  }
0x76: {  	_ =	shalt  }
0x77: {  	_ =	shalt  }
0x78: {  	_ =	shalt  }
0x79: {  	_ =	shalt  }
0x7a: {  	_ =	shalt  }
0x7b: {  	_ =	shalt  }
0x7c: {  	_ =	shalt  }
0x7d: {  	_ =	shalt  }
0x7e: {  	_ =	shalt  }
0x7f: {  	_ =	shalt  }
0x80: {  	_ =	shalt  }
0x81: {  	_ =	shalt  }
0x82: {  	_ =	shalt  }
0x83: {  	_ =	shalt  }
0x84: {  	_ =	shalt  }
0x85: {  	_ =	shalt  }
0x86: {  	_ =	shalt  }
0x87: {  	_ =	shalt  }
.Lfunc_end0:
.L_simem_size_0:
called_computation_lowered:
.L_overlay_start_0:
0x88: {  	s2 =	sld [smem:$0x3FD9]  }
0x89: {  	s3 =	sld [smem:$0x3FFE];
	_ =	sdelay $0x1  }
0x8a: {  	s1 =	srdreg.scid  }
0x8b: {  	s0 =	sand.u32 $0x1, s1  }
0x8c: {  	s15 =	sshll.u32 s0, $0xA;
	s2 =	sadd.s32 s3, s2  }
0x8d: {  	s2 =	sadd.s32 s2, s15  }
0x8e: {  	[smem:$0x3FC6] =	sst s2  }
0x8f: {  	_ = 	snop  }
0x90: {  	s2 =	sld [smem:$0x3FD0];
	_ =	sdelay $0x1  }
0x91: {  	s16 =	sld [smem:$0x3FC9]  }
0x92: {  	s5 =	simm.s32 $0xA;
	s6 =	simm.s32 $0x10;
	s4 =	sld [smem:$0x3FC8]  }
0x93: {  	[smem:s6], [sflag:s5] =	dma.local [hbm:s2], $0x1  }
0x94: {  	_ =	swait.eq [sflag:s5], $0x1  }
0x95: {  	[sflag:s5] =	ssyncset.done $0x0  }
0x96: {  	s17 =	sld [smem:$0x10];
	[sflag:s5] =	ssyncadd.s32 $0xFFFFFFFF  }
0x97: {  	s18 =	sld [smem:$0x11];
	(tm) =	ssettm $0x1  }
0x98: {  	s19 =	sld [smem:$0x3FFB];
	_ =	sdelay $0x3  }
0x99: {  	_ =	strace s19  }
0x9a: {  	s6 =	sld [smem:$0x3FFC];
	_ =	sdelay $0x3  }
0x9b: {  	_ =	strace s6  }
0x9c: {  	s6 =	sld [smem:$0x3FFD];
	_ =	sdelay $0x3  }
0x9d: {  	_ =	strace s6  }
0x9e: {  	_ =	strace $0x8FFFFFFF  }
0x9f: {  	s20 =	sld [smem:$0x3FDB];
	_ =	sdelay $0x1  }
0xa0: {  	s7 =	simm.s32 $_scs_section_size  }
0xa1: {  	s8 =	simm.s32 $_size__tile_overlayer_lowered;
	s9 =	simm.s32 $_tile_overlayer_lowered  }
0xa2: {  	s23 =	simm.s32 $0x1BFF;
	s22 =	sshll.u32 s9, $0x1;
	s6 =	sadd.s32 s7, s20  }
0xa3: {  	s10 =	simm.s32 $0x0;
	s21 =	sshll.u32 s8, $0x1;
	s8 =	sadd.s32 s22, s6  }
0xa4: {  	[timem:s10], [sflag:s23] =	dma.local [hbm:s8], s21  }
0xa5: {  	_ =	swait.ge [sflag:s23], s21  }
0xa6: {  	s7 =	ssub.s32 $0x0, s21;
	[sflag:s23] =	ssyncset.done $0x0  }
0xa7: {  	[sflag:s23] =	ssyncadd.s32 s7;
	_ =	sdelay $0x1  }
0xa8: {  	s24 =	simm.s32 $0x1B8B  }
0xa9: {  	_ =	swait.ge [sflag:s24], $0x1  }
0xaa: {  	[sflag:s24] =	ssyncset.done $0x0  }
0xab: {  	s25 =	simm.s32 $0x1B8E;
	[sflag:s24] =	ssyncadd.s32 $0xFFFFFFFF  }
0xac: {  	s26 =	simm.s32 $execute0_lowered;
	[smem:$0x3FD2] =	sst s25  }
0xad: {  	s7 =	sshll.u32 s26, $0x1;
	_ =	strace $0x80000046;
	[dreg:$0x1] =	wrdreg $0xFFFFFFFF  }
0xae: {  	s28 =	simm.s32 $_size_execute0_lowered;
	s6 =	sadd.s32 s6, s7;
	[dreg:$0x0] =	wrdreg $0x0  }
0xaf: {  	s7 =	sshll.u32 s28, $0x1;
	[dreg:$0x2] =	wrdreg s6  }
0xb0: {  	[dreg:$0x3] =	wrdreg s7  }
0xb1: {  	[dreg:$0x4] =	wrdreg $0xC0  }
0xb2: {  	_ =	task [dreg:s10], $0x5FFFF  }
0xb3: {  	[dreg:$0x1] =	wrdreg $0xFFFFFFFF  }
0xb4: {  	[dreg:$0x0] =	wrdreg $0x60  }
0xb5: {  	[dreg:$0x2] =	wrdreg s16  }
0xb6: {  	[dreg:$0x3] =	wrdreg s4  }
0xb7: {  	[dreg:$0x4] =	wrdreg s17  }
0xb8: {  	[dreg:$0x5] =	wrdreg s18  }
0xb9: {  	[dreg:$0x6] =	wrdreg $0x9  }
0xba: {  	_ =	task.clear_ibuf [dreg:s10], $0x7FFFF;
	_ =	strace $0x90000046  }
0xbb: {  	s29 =	simm.s32 $0x9;
	_ =	strace $0x80000048  }
0xbc: {  	_ =	swait.ge [sflag:s29], $0x1  }
0xbd: {  	[sflag:s29] =	ssyncadd.s32 $0xFFFFFFFF  }
0xbe: {  	_ =	strace $0x90000048  }
0xbf: {  	_ =	sfence  }
0xc0: {  	s30 =	sld [smem:$0x0];
	_ =	sdelay $0x2  }
0xc1: {  	s31 =	sshll.u32 s1, $0xD;
	s1 =	sshrl.u32 s1, $0x2  }
0xc2: {  	s3 =	sand.u32 $0x4000, s31;
	s1 =	sadd.s32 s1, s30  }
0xc3: {  	s0 =	sor.u32 s3, s0;
	s1 =	sshll.u32 s1, $0x11  }
0xc4: {  	s0 =	sor.u32 s1, s0  }
0xc5: {  	s0 =	sadd.s32 $0x8F2B, s0  }
0xc6: {  	[sflag:s0] =	ssyncadd.remote.s32 $0x1  }
0xc7: {  	_ =	sfence.sel $0xFFFF  }
0xc8: {  	[dreg:$0x0] =	wrdreg $0xFFFFFFFF;
	(pc) =	sbr.abs _section_cstart, $3  }
0xc9: {  	[dreg:$0x1] =	wrdreg $0xFFFFFFFF  }
0xca: {  	_ =	task.clear_ibuf [dreg:s10], $0x2FFFF;
	_ =	strace $0x9FFFFFFF  }
0xcb: {  	(tm) =	ssettm $0x7FFFFFFF  }
tec
execute0_lowered:
.L_overlay_start_1:
0x0: {  	(tag) =	ssettag $0x1  }
0x1: {  	s1 =	rddreg [dreg:$0x0]  }
0x2: {  	s2 =	rddreg [dreg:$0x1]  }
0x3: {  	s3 =	rddreg [dreg:$0x2]  }
0x4: {  	s4 =	rddreg [dreg:$0x3]  }
0x5: {  	s5 =	srdreg.scid;
	s0 =	rddreg [dreg:$0x4];
	s6 =	simm.s32 $0x0  }
0x6: {  	s11 =	simm.s32 $0xE00;
	s12 =	simm.s32 $0x1C00;
	s13 =	simm.s32 $0x2A00  }
0x7: {  	s14 =	simm.s32 $0x3800;
	s15 =	simm.s32 $0x0;
	s7 =	sand.u32 $0x1, s5  }
0x8: {  	s5 =	stileid.u32;
	[smem:$0x7FF] =	sst s6;
	s8 =	ssub.s32 $0x2, s7  }
0x9: {  	s10 =	sshll.u32 s5, $0x1;
	_ =	strace $0x80000047;
	s9 =	sshrl.u32 s8, $0x1  }
0xa: {  	s7 =	sor.u32 s7, s10;
	s10 =	simm.s32 $0x1;
	s9 =	ssub.s32 s8, s9  }
0xb: {  	s7 =	smul.u32 $0xC4, s7;
	s8 =	sadd.s32 $0x18800, s3;
	s9 =	smax.u32 s9, $0x1  }
.LBB2_1:
0xc: {  	s16 =	simm.s32 $0x0  }
.LBB2_2:
0xd: {  	s17 =	smul.u32 $0x1C, s16;
	_ =	sdelay $0x1  }
0xe: {  	s17 =	sadd.s32 s7, s17  }
0xf: {  	s17 =	sshll.u32 s17, $0x4  }
0x10: {  	s19 =	simm.s32 $0x0;
	s18 =	sadd.s32 s1, s17  }
0x11: {  	[tilespmem:s19], [sflag:$0x1] =	stream.linear.gather [hbm4b:s18+s19], $0xE00, $0x38;
	[tilespmem:$0x4600] =	vst v63  }
0x12: {  	_ =	swait.ge [sflag:s10], $0xE00  }
0x13: {  	[sflag:s10] =	ssyncset.done $0x0  }
0x14: {  	s31 =	sadd.s32 s2, s17;
	[sflag:s10] =	ssyncadd.s32 $0xFFFFF200  }
0x15: {  	[tilespmem:s11], [sflag:$0x1] =	stream.linear.gather [hbm4b:s31+s19], $0xE00, $0x38;
	[tilespmem:$0x4600] =	vst v63  }
0x16: {  	_ =	swait.ge [sflag:s10], $0xE00  }
0x17: {  	[sflag:s10] =	ssyncset.done $0x0  }
0x18: {  	s18 =	simm.s32 $0x0;
	[sflag:s10] =	ssyncadd.s32 $0xFFFFF200  }
0x19: {  	v0 =	vld [tilespmem:s18+$0x70]  }
0x1a: {  	v8 =	vld [tilespmem:s18+$0x0]  }
0x1b: {  	v9 =	vld [tilespmem:s18+$0x10]  }
0x1c: {  	v10 =	vld [tilespmem:s18+$0x20]  }
0x1d: {  	v12 =	vld [tilespmem:s18+$0x30]  }
0x1e: {  	v1 =	vld [tilespmem:s18+$0x40]  }
0x1f: {  	v2 =	vld [tilespmem:s18+$0x50]  }
0x20: {  	v11 =	vld [tilespmem:s18+$0xE00]  }
0x21: {  	v3 =	vld [tilespmem:s18+$0x60]  }
0x22: {  	vm10 =	vlt.u32 v0, $0x61A8;
	v4 =	vadd.s32 $0xFFFF9E58, v0  }
0x23: {  	vm3 =	vlt.u32 v8, $0x61A8;
	v5 =	vadd.s32 $0xFFFF9E58, v8;
	v6 =	vadd.s32 $0xFFFF9E58, v9  }
0x24: {  	v13 =	vld [tilespmem:s18+$0xE10];
	v7 =	vadd.s32 $0xFFFF9E58, v10;
	vm5 =	vlt.u32 v10, $0x61A8;
	vm1 =	vlt.u32 v12, $0x61A8  }
0x25: {  	vm7 =	vlt.u32 v1, $0x61A8;
	v14 =	vadd.s32 $0xFFFF9E58, v2;
	v22 =	vadd.s32 $0x58, v11  }
0x26: {  	v19 =	vld [tilespmem:s18+$0xE30];
	v24 =	vadd.s32 $0xFFFF9E58, v3;
	vm0 =	vlt.u32 v4, $0x61A8;
	vm2 =	vlt.u32 v5, $0x61A8  }
0x27: {  	vm4 =	vlt.u32 v6, $0x61A8;
	vm6 =	vlt.u32 v7, $0x61A8;
	v4 =	vnsel vm0, $0x61F8, v4  }
0x28: {  	vm0 =	vlt.u32 v9, $0x61A8;
	v15 =	vnsel vm2, $0x61F8, v5;
	v5 =	vadd.s32 $0xFFFF9E58, v1  }
0x29: {  	v17 =	vnsel vm4, $0x61F8, v6;
	v18 =	vnsel vm6, $0x61F8, v7;
	vm6 =	vgt.s32 v13, $0x61A7;
	[tilespmem:s18+$0x2A70] =	vst v4  }
0x2a: {  	v4 =	vadd.s32 $0xFFFF9E58, v12;
	vm4 =	vlt.u32 v5, $0x61A8;
	[tilespmem:s18+$0x2A00] =	vst v15;
	v15 =	vnsel vm0, $0x61F8, v9  }
0x2b: {  	v16 =	vld [tilespmem:s18+$0xE20];
	[tilespmem:s18+$0x2A20] =	vst v18;
	vm0 =	vgt.s32 v19, $0x61A7;
	v9 =	vadd.s32 $0x58, v19;
	v18 =	vnsel vm5, $0x61F8, v10  }
0x2c: {  	v7 =	vld [tilespmem:s18+$0xE40];
	v12 =	vnsel vm1, $0x61F8, v12;
	vm2 =	vlt.u32 v4, $0x61A8;
	v21 =	vnsel vm4, $0x61F8, v5  }
0x2d: {  	v6 =	vld [tilespmem:s18+$0xE50];
	vm4 =	vgt.s32 v11, $0x61A7;
	v20 =	vnsel vm2, $0x61F8, v4;
	vm2 =	vlt.u32 v14, $0x61A8  }
0x2e: {  	v5 =	vld [tilespmem:s18+$0xE70];
	v22 =	vsel vm4, v22, v11;
	vm4 =	vlt.u32 v24, $0x61A8;
	v23 =	vnsel vm2, $0x61F8, v14  }
0x2f: {  	[tilespmem:s18+$0x2A10] =	vst v17;
	v4 =	vld [tilespmem:s18+$0xE60];
	vm2 =	vlt.u32 v2, $0x61A8;
	v14 =	vnsel vm3, $0x61F8, v8;
	v8 =	vadd.s32 $0x58, v13  }
0x30: {  	[tilespmem:s18+$0x2A40] =	vst v21;
	v24 =	vnsel vm4, $0x61F8, v24;
	vm3 =	vlt.u32 v3, $0x61A8;
	vm4 =	vgt.s32 v16, $0x61A7  }
0x31: {  	[tilespmem:s18+$0x2A30] =	vst v20;
	v17 =	vsel vm6, v8, v13;
	v8 =	vadd.s32 $0x58, v16;
	vm11 =	vgt.s32 v7, $0x61A7  }
0x32: {  	[tilespmem:s18+$0x3800] =	vst v22;
	v11 =	vadd.s32 $0x58, v7;
	vm9 =	vgt.s32 v6, $0x61A7;
	v10 =	vadd.s32 $0x58, v6  }
0x33: {  	[tilespmem:s18+$0x2A50] =	vst v23;
	v13 =	vsel vm4, v8, v16;
	v16 =	vsel vm0, v9, v19;
	vm5 =	vgt.s32 v5, $0x61A7  }
0x34: {  	s20 =	simm.s32 $0x400;
	s19 =	simm.s32 $0x80;
	[tilespmem:s18+$0x2A60] =	vst v24;
	v8 =	vadd.s32 $0x58, v5;
	vm8 =	vgt.s32 v4, $0x61A7;
	v9 =	vadd.s32 $0x58, v4  }
.LBB2_3:
0x35: {  	v19 =	vld [tilespmem:s19+$0x70]  }
0x36: {  	[tilespmem:s18+$0x1C00] =	vst v14  }
0x37: {  	v14 =	vld [tilespmem:s19+$0x0]  }
0x38: {  	[tilespmem:s18+$0x3810] =	vst v17  }
0x39: {  	v4 =	vsel vm8, v9, v4;
	v20 =	vld [tilespmem:s19+$0x10];
	[tilespmem:s18+$0x1C10] =	vst v15  }
0x3a: {  	v9 =	vnsel vm3, $0x61F8, v3;
	v3 =	vimm.s32 $0x0;
	v21 =	vld [tilespmem:s19+$0x20];
	[tilespmem:s18+$0x3820] =	vst v13;
	vm0 =	vlt.u32 v19, $0x61A8  }
0x3b: {  	v6 =	vsel vm9, v10, v6;
	v10 =	vnsel vm2, $0x61F8, v2;
	v22 =	vld [tilespmem:s19+$0x30];
	[tilespmem:s18+$0x1C20] =	vst v18;
	v2 =	vsel vm0, $0xFFFFFFFF, v3  }
0x3c: {  	vm0 =	vlt.u32 v14, $0x61A8;
	[tilespmem:$0x1FFF0] =	vst v2;
	v2 =	vimm.s32 $0x0  }
0x3d: {  	v7 =	vsel vm11, v11, v7;
	v11 =	vnsel vm7, $0x61F8, v1;
	v1 =	vld [tilespmem:s19+$0x40];
	[tilespmem:s18+$0x3830] =	vst v16;
	v2 =	vsel vm0, $0xFFFFFFFF, v2  }
0x3e: {  	v13 =	vadd.s32 $0xFFFF9E58, v19;
	[tilespmem:$0x1FFC0] =	vst v2  }
0x3f: {  	vm0 =	vlt.u32 v13, $0x61A8;
	v2 =	vld [tilespmem:s19+$0x50];
	[tilespmem:s18+$0x1C30] =	vst v12  }
0x40: {  	v13 =	vnsel vm0, $0x61F8, v13;
	vm0 =	vlt.u32 v20, $0x61A8;
	v3 =	vld [tilespmem:s19+$0x60];
	[tilespmem:s18+$0x3840] =	vst v7;
	v7 =	vimm.s32 $0x0  }
0x41: {  	v7 =	vsel vm0, $0xFFFFFFFF, v7;
	[tilespmem:s19+$0x2A70] =	vst v13  }
0x42: {  	v16 =	vld [tilespmem:s19+$0xE00];
	[tilespmem:$0x1FFD0] =	vst v7  }
0x43: {  	v13 =	vld [tilespmem:s19+$0xE10];
	vm0 =	vlt.u32 v21, $0x61A8;
	v7 =	vimm.s32 $0x0;
	[tilespmem:s18+$0x1C40] =	vst v11  }
0x44: {  	v5 =	vsel vm5, v8, v5;
	v8 =	vnsel vm10, $0x61F8, v0;
	v0 =	vmovc v19;
	v7 =	vsel vm0, $0xFFFFFFFF, v7;
	v19 =	vld [tilespmem:s19+$0xE20];
	[tilespmem:s18+$0x3850] =	vst v6  }
0x45: {  	[tilespmem:$0x1FFE0] =	vst v7  }
0x46: {  	v24 =	vld [tilespmem:s19+$0xE30];
	[tilespmem:s18+$0x1C50] =	vst v10  }
0x47: {  	v7 =	vld [tilespmem:s19+$0xE40];
	[tilespmem:s18+$0x3860] =	vst v4  }
0x48: {  	v12 =	vadd.s32 $0xFFFF9E58, v20;
	v6 =	vld [tilespmem:s19+$0xE50];
	[tilespmem:s18+$0x1C60] =	vst v9  }
0x49: {  	v17 =	vadd.s32 $0xFFFF9E58, v21;
	vm8 =	vlt.u32 v12, $0x61A8;
	v4 =	vld [tilespmem:s19+$0xE60];
	[tilespmem:s18+$0x3870] =	vst v5  }
0x4a: {  	vm9 =	vlt.u32 v17, $0x61A8;
	v5 =	vld [tilespmem:s19+$0xE70];
	[tilespmem:s18+$0x1C70] =	vst v8;
	s18 =	smov.u32 s19;
	v8 =	vnsel vm8, $0x61F8, v12  }
0x4b: {  	v15 =	vadd.s32 $0xFFFF9E58, v14;
	v18 =	vadd.s32 $0xFFFF9E58, v22;
	[tilespmem:s18+$0x2A10] =	vst v8;
	v8 =	vnsel vm9, $0x61F8, v17;
	v17 =	vld [tilespmem:$0x1FFC0]  }
0x4c: {  	vm5 =	vlt.u32 v15, $0x61A8;
	vm10 =	vlt.u32 v22, $0x61A8;
	vm12 =	vlt.u32 v18, $0x61A8  }
0x4d: {  	v23 =	vadd.s32 $0xFFFF9E58, v1;
	vm7 =	vlt.u32 v1, $0x61A8;
	v25 =	vadd.s32 $0xFFFF9E58, v2  }
0x4e: {  	vm13 =	vlt.u32 v23, $0x61A8;
	vm2 =	vlt.u32 v2, $0x61A8;
	vm15 =	vlt.u32 v25, $0x61A8  }
0x4f: {  	v26 =	vadd.s32 $0xFFFF9E58, v3;
	vm1 =	vgt.s32 v13, $0x61A7;
	v28 =	vadd.s32 $0x58, v13  }
0x50: {  	[tilespmem:s18+$0x2A20] =	vst v8;
	v8 =	vnsel vm12, $0x61F8, v18;
	vm12 =	vnez.u8 v17;
	v17 =	vsel vm1, v28, v13;
	v13 =	vld [tilespmem:$0x1FFD0]  }
0x51: {  	vm3 =	vlt.u32 v3, $0x61A8;
	vm14 =	vgt.s32 v16, $0x61A7;
	v27 =	vadd.s32 $0x58, v16  }
0x52: {  	vm0 =	vlt.u32 v26, $0x61A8;
	v9 =	vnsel vm5, $0x61F8, v15;
	v15 =	vnsel vm15, $0x61F8, v25  }
0x53: {  	v16 =	vsel vm14, v27, v16;
	vm4 =	vgt.s32 v19, $0x61A7;
	v29 =	vadd.s32 $0x58, v19  }
0x54: {  	vm6 =	vgt.s32 v24, $0x61A7;
	v12 =	vadd.s32 $0x58, v24;
	[tilespmem:s18+$0x3800] =	vst v16;
	v16 =	vld [tilespmem:$0x1FFE0];
	vm11 =	vgt.s32 v7, $0x61A7  }
0x55: {  	p0 =	sne.s32 s20, $0x3600;
	v18 =	vnsel vm0, $0x61F8, v26;
	vm0 =	vnez.u8 v13;
	v13 =	vsel vm4, v29, v19;
	v19 =	vld [tilespmem:$0x1FFF0]  }
.Ltmp0:
0x56: {  	[tilespmem:s18+$0x2A00] =	vst v9;
	v11 =	vadd.s32 $0x58, v7;
	vm9 =	vgt.s32 v6, $0x61A7;
	v10 =	vadd.s32 $0x58, v6;
	(pc) =	sbr.rel @p0 .LBB2_3-.Ltmp0, $4  }
0x57: {  	[tilespmem:s18+$0x2A30] =	vst v8;
	v8 =	vnsel vm13, $0x61F8, v23;
	vm8 =	vgt.s32 v4, $0x61A7;
	v9 =	vadd.s32 $0x58, v4  }
0x58: {  	[tilespmem:s18+$0x2A40] =	vst v8;
	vm5 =	vgt.s32 v5, $0x61A7;
	v8 =	vadd.s32 $0x58, v5;
	v14 =	vnsel vm12, $0x61F8, v14  }
0x59: {  	[tilespmem:s18+$0x2A50] =	vst v15;
	v15 =	vnsel vm0, $0x61F8, v20;
	vm0 =	vnez.u8 v16;
	v16 =	vsel vm6, v12, v24  }
0x5a: {  	s19 =	sshra.s32 s20, $0x2;
	s20 =	sadd.s32 $0x200, s20;
	[tilespmem:s18+$0x2A60] =	vst v18;
	v12 =	vnsel vm10, $0x61F8, v22;
	v18 =	vnsel vm0, $0x61F8, v21;
	vm10 =	vnez.u8 v19  }
0x5b: {  	v19 =	vld [tilespmem:s19+$0x70];
	[tilespmem:s18+$0x1C00] =	vst v14  }
0x5c: {  	v14 =	vld [tilespmem:s19+$0x0];
	[tilespmem:s18+$0x3810] =	vst v17  }
0x5d: {  	v17 =	vld [tilespmem:s19+$0x10];
	[tilespmem:s18+$0x1C10] =	vst v15  }
0x5e: {  	v15 =	vld [tilespmem:s19+$0x20];
	[tilespmem:s18+$0x3820] =	vst v13  }
0x5f: {  	v13 =	vld [tilespmem:s19+$0x30];
	[tilespmem:s18+$0x1C20] =	vst v18  }
0x60: {  	v18 =	vld [tilespmem:s19+$0x40];
	[tilespmem:s18+$0x3830] =	vst v16;
	v56 =	vadd.s32 $0xFFFF9E58, v19  }
0x61: {  	v7 =	vsel vm11, v11, v7;
	v16 =	vld [tilespmem:s19+$0x50];
	[tilespmem:s18+$0x1C30] =	vst v12;
	vm0 =	vlt.u32 v56, $0x61A8  }
0x62: {  	v12 =	vld [tilespmem:s19+$0x60];
	[tilespmem:s18+$0x3840] =	vst v7;
	v57 =	vnsel vm0, $0x61F8, v56  }
0x63: {  	v1 =	vnsel vm7, $0x61F8, v1;
	v58 =	vld [tilespmem:s19+$0xE00];
	[tilespmem:s19+$0x2A70] =	vst v57  }
0x64: {  	v60 =	vsel vm9, v10, v6;
	v59 =	vld [tilespmem:s19+$0xE10];
	[tilespmem:s18+$0x1C40] =	vst v1  }
0x65: {  	v62 =	vnsel vm2, $0x61F8, v2;
	v61 =	vld [tilespmem:s19+$0xE20];
	[tilespmem:s18+$0x3850] =	vst v60  }
0x66: {  	v20 =	vsel vm8, v9, v4;
	v63 =	vld [tilespmem:s19+$0xE30];
	[tilespmem:s18+$0x1C50] =	vst v62  }
0x67: {  	v22 =	vnsel vm3, $0x61F8, v3;
	v21 =	vld [tilespmem:s19+$0xE40];
	[tilespmem:s18+$0x3860] =	vst v20  }
0x68: {  	v24 =	vsel vm5, v8, v5;
	v26 =	vadd.s32 $0xFFFF9E58, v14;
	v23 =	vld [tilespmem:s19+$0xE50];
	[tilespmem:s18+$0x1C60] =	vst v22  }
0x69: {  	v0 =	vnsel vm10, $0x61F8, v0;
	vm5 =	vlt.u32 v26, $0x61A8;
	v27 =	vadd.s32 $0xFFFF9E58, v17;
	v25 =	vld [tilespmem:s19+$0xE60];
	[tilespmem:s18+$0x3870] =	vst v24  }
0x6a: {  	v8 =	vnsel vm5, $0x61F8, v26;
	vm6 =	vlt.u32 v27, $0x61A8;
	v29 =	vadd.s32 $0xFFFF9E58, v15;
	v28 =	vld [tilespmem:s19+$0xE70];
	[tilespmem:s18+$0x1C70] =	vst v0  }
0x6b: {  	v30 =	vnsel vm6, $0x61F8, v27;
	vm7 =	vlt.u32 v29, $0x61A8;
	v31 =	vadd.s32 $0xFFFF9E58, v13;
	[tilespmem:s19+$0x2A00] =	vst v8  }
0x6c: {  	v32 =	vnsel vm7, $0x61F8, v29;
	vm8 =	vlt.u32 v31, $0x61A8;
	v33 =	vadd.s32 $0xFFFF9E58, v18;
	[tilespmem:s19+$0x2A10] =	vst v30  }
0x6d: {  	v34 =	vnsel vm8, $0x61F8, v31;
	vm9 =	vlt.u32 v33, $0x61A8;
	v35 =	vadd.s32 $0xFFFF9E58, v16;
	[tilespmem:s19+$0x2A20] =	vst v32  }
0x6e: {  	v36 =	vnsel vm9, $0x61F8, v33;
	vm10 =	vlt.u32 v35, $0x61A8;
	v37 =	vadd.s32 $0xFFFF9E58, v12;
	[tilespmem:s19+$0x2A30] =	vst v34  }
0x6f: {  	v38 =	vnsel vm10, $0x61F8, v35;
	vm11 =	vlt.u32 v37, $0x61A8;
	[tilespmem:s19+$0x2A40] =	vst v36  }
0x70: {  	vm12 =	vgt.s32 v58, $0x61A7;
	v40 =	vadd.s32 $0x58, v58;
	v39 =	vnsel vm11, $0x61F8, v37;
	[tilespmem:s19+$0x2A50] =	vst v38  }
0x71: {  	vm13 =	vlt.u32 v14, $0x61A8;
	v41 =	vsel vm12, v40, v58;
	[tilespmem:s19+$0x2A60] =	vst v39  }
0x72: {  	v42 =	vnsel vm13, $0x61F8, v14;
	vm14 =	vgt.s32 v59, $0x61A7;
	v43 =	vadd.s32 $0x58, v59;
	[tilespmem:s19+$0x3800] =	vst v41  }
0x73: {  	vm15 =	vlt.u32 v17, $0x61A8;
	v44 =	vsel vm14, v43, v59;
	[tilespmem:s19+$0x1C00] =	vst v42  }
0x74: {  	v45 =	vnsel vm15, $0x61F8, v17;
	vm5 =	vlt.u32 v15, $0x61A8;
	[tilespmem:s19+$0x3810] =	vst v44  }
0x75: {  	v48 =	vnsel vm5, $0x61F8, v15;
	vm7 =	vlt.u32 v13, $0x61A8;
	[tilespmem:s19+$0x1C10] =	vst v45  }
0x76: {  	v51 =	vnsel vm7, $0x61F8, v13;
	vm9 =	vlt.u32 v18, $0x61A8;
	[tilespmem:s19+$0x1C20] =	vst v48  }
0x77: {  	v54 =	vnsel vm9, $0x61F8, v18;
	vm11 =	vlt.u32 v16, $0x61A8;
	[tilespmem:s19+$0x1C30] =	vst v51  }
0x78: {  	vm13 =	vlt.u32 v12, $0x61A8;
	v57 =	vnsel vm11, $0x61F8, v16;
	[tilespmem:s19+$0x1C40] =	vst v54  }
0x79: {  	v60 =	vnsel vm13, $0x61F8, v12;
	vm4 =	vgt.s32 v61, $0x61A7;
	v46 =	vadd.s32 $0x58, v61;
	[tilespmem:s19+$0x1C50] =	vst v57  }
0x7a: {  	v47 =	vsel vm4, v46, v61;
	vm6 =	vgt.s32 v63, $0x61A7;
	v49 =	vadd.s32 $0x58, v63;
	[tilespmem:s19+$0x1C60] =	vst v60  }
0x7b: {  	vm15 =	vlt.u32 v19, $0x61A8;
	[tilespmem:s19+$0x3820] =	vst v47;
	v50 =	vsel vm6, v49, v63  }
0x7c: {  	vm8 =	vgt.s32 v21, $0x61A7;
	v52 =	vadd.s32 $0x58, v21;
	v63 =	vnsel vm15, $0x61F8, v19;
	[tilespmem:s19+$0x3830] =	vst v50  }
0x7d: {  	v53 =	vsel vm8, v52, v21;
	vm10 =	vgt.s32 v23, $0x61A7;
	v55 =	vadd.s32 $0x58, v23;
	[tilespmem:s19+$0x1C70] =	vst v63  }
0x7e: {  	[tilespmem:s19+$0x3840] =	vst v53;
	v56 =	vsel vm10, v55, v23;
	vm12 =	vgt.s32 v25, $0x61A7;
	v58 =	vadd.s32 $0x58, v25  }
0x7f: {  	[tilespmem:s19+$0x3850] =	vst v56;
	v59 =	vsel vm12, v58, v25;
	vm14 =	vgt.s32 v28, $0x61A7;
	v61 =	vadd.s32 $0x58, v28  }
0x80: {  	[tilespmem:s19+$0x3860] =	vst v59;
	v62 =	vsel vm14, v61, v28  }
0x81: {  	s29 =	sadd.s32 s3, s17;
	[tilespmem:s19+$0x3870] =	vst v62  }
0x82: {  	[hbm4b:s29+s6] =	stream.linear.scatter [tilespmem:s12], [sflag:$0x1], $0xE00, $0x38;
	[tilespmem:$0x4600] =	vst v63  }
0x83: {  	_ =	swait.ge [sflag:s10], $0xE00  }
0x84: {  	[sflag:s10] =	ssyncset.done $0x0  }
0x85: {  	s30 =	sadd.s32 s17, s8;
	[sflag:s10] =	ssyncadd.s32 $0xFFFFF200  }
0x86: {  	[hbm4b:s30+s6] =	stream.linear.scatter [tilespmem:s13], [sflag:$0x1], $0xE00, $0x38;
	[tilespmem:$0x4600] =	vst v63  }
0x87: {  	s16 =	sadd.s32 $0x1, s16;
	_ =	swait.ge [sflag:s10], $0xE00  }
0x88: {  	p0 =	sne.s32 s16, $0x7;
	[sflag:s10] =	ssyncset.done $0x0  }
.Ltmp1:
0x89: {  	s31 =	sadd.s32 s4, s17;
	[sflag:s10] =	ssyncadd.s32 $0xFFFFF200;
	(pc) =	sbr.rel @p0 .LBB2_2-.Ltmp1, $4  }
0x8a: {  	[hbm4b:s31+s6] =	stream.linear.scatter [tilespmem:s14], [sflag:$0x1], $0xE00, $0x38;
	[tilespmem:$0x4600] =	vst v63  }
0x8b: {  	_ =	swait.ge [sflag:s10], $0xE00  }
0x8c: {  	[sflag:s10] =	ssyncset.done $0x0  }
0x8d: {  	[sflag:s10] =	ssyncadd.s32 $0xFFFFF200  }
0x8e: {  	s15 =	sadd.s32 $0x1, s15  }
0x8f: {  	p0 =	sne.s32 s15, s9  }
.Ltmp2:
0x90: {  	_ = 	snop;
	(pc) =	sbr.rel @p0 .LBB2_1-.Ltmp2, $1  }
0x91: {  	_ =	sdelay $0x3  }
0x92: {  	_ =	sfence.sel $0x180000  }
0x93: {  	[bflag:$0x0] =	sbarrier.arrive $0xFFFF  }
0x94: {  	p0 =	sne.s32 s5, $0x0;
	_ =	strace $0x90000047  }
0x95: {  	s0 =	sadd.s32 @!p0 $0x100000, s0;
	[bflag:$0x2] =	sbarrier.arrive $0xFFFF  }
0x96: {  	[sflag:s0] =	ssyncadd.tile.s32 @!p0 $0x1;
	_ =	shalt  }
.Lfunc_end2:
_tile_overlayer_lowered:
.L_overlay_start_2:
0x97: {  	(tag) =	ssettag $0x2  }
0x98: {  	s0 =	rddreg [dreg:$0x0];
	s2 =	stileid.u32  }
0x99: {  	s1 =	rddreg [dreg:$0x1];
	p0 =	sne.s32 s2, $0x0  }
0x9a: {  	s3 =	rddreg [dreg:$0x2];
	[bflag:$0x3] =	sbarrier.arrive $0xFFFF;
	s2 =	simm.s32 @!p0 $0x1C01  }
0x9b: {  	[timem:s3], [sflag:s2] =	dma.local @!p0 [hbm:s0], s1  }
0x9c: {  	s0 =	simm.s32 @!p0 $0x1  }
0x9d: {  	_ =	swait.ge @!p0 [sflag:s0], s1  }
0x9e: {  	s1 =	ssub.s32 @!p0 $0x0, s1;
	[sflag:s0] =	ssyncset.done @!p0 $0x0  }
0x9f: {  	[sflag:s0] =	ssyncadd.s32 @!p0 s1  }
0xa0: {  	[bflag:$0x3] =	sbarrier.arrive $0xFFFF  }
0xa1: {  	_ =	shalt  }

</sc_bundles>
